<compile_context>
chip_gen: v7x
topology: tpu7x:2x2x1
jax: 0.10.2.dev20260603
libtpu: 0.0.44.dev20260713+nightly
codegen_flags: <defaults>
</compile_context>

<pallas_src>
import functools

import jax
import jax.numpy as jnp
from jax import lax
from jax.experimental import pallas as pl
from jax.experimental.pallas import tpu as pltpu
from jax.experimental.pallas import tpu_sc as plsc

N = 1000000
DIM = 64
B = 16384
NC = 2
NS = 16
NW = NC * NS
BPW = B // NW
LANES = 16
NG = BPW // LANES


def _sc_body(idx_hbm, mu_hbm, lv_hbm, mu_out, lv_out, std_out,
             idx_v, lv_rows, sem_mu, sem_lv):
    wid = lax.axis_index("s") * NC + lax.axis_index("c")
    base = wid * BPW

    pltpu.sync_copy(idx_hbm.at[pl.ds(wid * NG, NG)], idx_v)

    def fire_body(g, carry):
        vec = idx_v[g, pl.ds(0, LANES)]
        for l in range(LANES):
            row = vec[l]
            out_row = base + g * LANES + l
            loc_row = g * LANES + l
            pltpu.async_copy(mu_hbm.at[pl.ds(row, 1)],
                             mu_out.at[pl.ds(out_row, 1)], sem_mu)
            pltpu.async_copy(lv_hbm.at[pl.ds(row, 1)],
                             lv_rows.at[pl.ds(loc_row, 1)], sem_lv)
        return carry
    lax.fori_loop(0, NG, fire_body, 0)

    pltpu.make_async_copy(lv_hbm.at[pl.ds(0, BPW)], lv_rows, sem_lv).wait()

    out_rows = pl.ds(base, BPW)
    pltpu.sync_copy(lv_rows, lv_out.at[out_rows])

    def std_body(i, carry):
        for c in range(DIM // LANES):
            cols = pl.ds(c * LANES, LANES)
            lv_rows[i, cols] = jnp.exp(lv_rows[i, cols] * 0.5)
        return carry
    lax.fori_loop(0, BPW, std_body, 0, unroll=4)

    pltpu.sync_copy(lv_rows, std_out.at[out_rows])

    pltpu.make_async_copy(mu_hbm.at[pl.ds(0, BPW)],
                          mu_out.at[out_rows], sem_mu).wait()


@jax.jit
def _vadlogvar_sc(idx2d, weight_mu, weight_logvar):
    out = jax.ShapeDtypeStruct((B, DIM), jnp.float32)
    mesh = plsc.VectorSubcoreMesh(core_axis_name="c", subcore_axis_name="s")
    run = functools.partial(
        pl.kernel,
        mesh=mesh,
        out_type=[out, out, out],
        scratch_types=[
            pltpu.VMEM((NG, LANES), jnp.int32),
            pltpu.VMEM((BPW, DIM), jnp.float32),
            pltpu.SemaphoreType.DMA,
            pltpu.SemaphoreType.DMA,
        ],
    )(_sc_body)
    return run(idx2d, weight_mu, weight_logvar)


def kernel(idx, num_augment_pts, weight_mu, weight_logvar):
    del num_augment_pts
    idx2d = idx.astype(jnp.int32).reshape(B // LANES, LANES)
    mu, logvar, std = _vadlogvar_sc(idx2d, weight_mu, weight_logvar)
    return (mu, mu, logvar, std)

# --- scband reference (transcript-rebuilt; emitter-appended) ---
"""Pipeline reference for scband-vadlog-var-47674136985843 (READ-ONLY COPY).

The authoritative reference and input builder live on the scoring server;
editing this copy changes nothing except your own understanding.
"""

import jax, jax.numpy as jnp
import numpy as np

N = 1000000
DIM = 64
B = 16384

def setup_inputs(seed: int = 0) -> dict:
    key = jax.random.key(seed)
    k1, k2, k3 = jax.random.split(key, 3)
    # Learned parameters, initialized per reset_parameters (mu_init_std=None -> 1/sqrt(dim), logvar mean 0.0)
    init_std = 1.0 / np.sqrt(DIM)
    weight_mu = jax.random.normal(k1, (N, DIM), dtype=jnp.float32) * init_std
    weight_logvar = jax.random.normal(k2, (N, DIM), dtype=jnp.float32) * init_std + 0.0
    idx = jax.random.randint(k3, (B,), 0, N, dtype=jnp.int64 if jax.config.jax_enable_x64 else jnp.int32)
    num_augment_pts = 4
    return {"idx": idx, "num_augment_pts": num_augment_pts, "weight_mu": weight_mu, "weight_logvar": weight_logvar}

def reference(idx, num_augment_pts, weight_mu, weight_logvar):
    # Eval-mode (deterministic) forward of VADLogVar:
    # mu = weight_mu[idx]; logvar = weight_logvar[idx]; std = exp(0.5*logvar); latent_code = mu
    mu = jnp.take(weight_mu, idx, axis=0)
    logvar = jnp.take(weight_logvar, idx, axis=0)
    std = jnp.exp(0.5 * logvar)
    latent_code = mu
    return (latent_code, mu, logvar, std)

if __name__ == "__main__":
    import jax
    _d = setup_inputs()
    print(jax.jit(kernel)(*tuple(_d.values())))

</pallas_src>

<mosaic_0001>
#map = affine_map<(d0, d1) -> (0, 0)>
module attributes {stable_mosaic.version = 14 : i64} {
  func.func @_sc_body(%arg0: i32, %arg1: i32, %arg2: memref<1024x16xi32, #tpu.memory_space<hbm>>, %arg3: memref<1000000x64xf32, #tpu.memory_space<hbm>>, %arg4: memref<1000000x64xf32, #tpu.memory_space<hbm>>, %arg5: memref<16384x64xf32, #tpu.memory_space<hbm>>, %arg6: memref<16384x64xf32, #tpu.memory_space<hbm>>, %arg7: memref<16384x64xf32, #tpu.memory_space<hbm>>, %arg8: memref<32x16xi32, #tpu.memory_space<vmem>>, %arg9: memref<512x64xf32, #tpu.memory_space<vmem>>, %arg10: memref<!tpu.dma_semaphore, #tpu.memory_space<semaphore_mem>>, %arg11: memref<!tpu.dma_semaphore, #tpu.memory_space<semaphore_mem>>) attributes {dimension_semantics = [#tpu.dimension_semantics<core_parallel>, #tpu.dimension_semantics<subcore_parallel>], iteration_bounds = array<i64: 2, 16>, scalar_prefetch = 0 : i64, scratch_operands = 4 : i64, tpu.core_type = #tpu.core_type<sc_vector_subcore>, window_params = [{transform_indices = #map}, {transform_indices = #map}, {transform_indices = #map}, {transform_indices = #map}, {transform_indices = #map}, {transform_indices = #map}]} {
    %mul3A = arith.constant 2 : i32
    %mul3A_0 = arith.muli %arg1, %mul3A : i32
    %add3A = arith.addi %mul3A_0, %arg0 : i32
    %mul3A_1 = arith.constant 512 : i32
    %mul3A_2 = arith.muli %add3A, %mul3A_1 : i32
    %mul3A_3 = arith.constant 32 : i32
    %mul3A_4 = arith.muli %add3A, %mul3A_3 : i32
    "tpu.region"() ({
      %run_scoped3A = tpu.sem_alloc : memref<!tpu.dma_semaphore, #tpu.memory_space<semaphore_mem>>
      %dma_start3A = arith.constant 0 : i32
      %dma_start3A_26 = tpu.memref_slice %arg2[%mul3A_4, %dma_start3A] : memref<1024x16xi32, #tpu.memory_space<hbm>> -> memref<32x16xi32, #tpu.memory_space<hbm>>
      %dma_start3A_27 = arith.constant 0 : i32
      %dma_start3A_28 = tpu.memref_slice %arg2[%mul3A_4, %dma_start3A_27] : memref<1024x16xi32, #tpu.memory_space<hbm>> -> memref<32x16xi32, #tpu.memory_space<hbm>>
      tpu.enqueue_dma source(%dma_start3A_28 : memref<32x16xi32, #tpu.memory_space<hbm>>) target(%arg8 : memref<32x16xi32, #tpu.memory_space<vmem>>) target_semaphore(%run_scoped3A : memref<!tpu.dma_semaphore, #tpu.memory_space<semaphore_mem>>)
      %dma_wait3A_29 = arith.constant 0 : i32
      %dma_wait3A_30 = tpu.memref_slice %arg2[%mul3A_4, %dma_wait3A_29] : memref<1024x16xi32, #tpu.memory_space<hbm>> -> memref<32x16xi32, #tpu.memory_space<hbm>>
      %dma_wait3A_31 = arith.constant 0 : i32
      %dma_wait3A_32 = tpu.memref_slice %arg2[%mul3A_4, %dma_wait3A_31] : memref<1024x16xi32, #tpu.memory_space<hbm>> -> memref<32x16xi32, #tpu.memory_space<hbm>>
      tpu.wait_dma2 semaphore(%run_scoped3A : memref<!tpu.dma_semaphore, #tpu.memory_space<semaphore_mem>>) src(%dma_wait3A_32 : memref<32x16xi32, #tpu.memory_space<hbm>>) dst(%arg8 : memref<32x16xi32, #tpu.memory_space<vmem>>)
      tpu.yield
    }) : () -> ()
    %scan3A = arith.constant 0 : i32
    %scan3A_5 = arith.constant 0 : i32
    %scan3A_6 = arith.constant 32 : i32
    %scan3A_7 = arith.addi %scan3A_5, %scan3A_6 : i32
    %scan3A_8 = arith.constant 1 : i32
    scf.for %scan3A_26 = %scan3A_5 to %scan3A_7 step %scan3A_8  : i32 {
      %get3A = arith.index_cast %scan3A_26 : i32 to index
      %get3A_27 = arith.constant 0 : index
      %get3A_28 = tpu.vector_load %arg8[%get3A, %get3A_27] {strides = array<i32>} : memref<32x16xi32, #tpu.memory_space<vmem>>, vector<1x16xi32>,
      %get3A_29 = vector.shape_cast %get3A_28 : vector<1x16xi32> to vector<16xi32>
      %slice3A = vector.extract_strided_slice %get3A_29 {offsets = [0], sizes = [1], strides = [1]} : vector<16xi32> to vector<1xi32>
      %squeeze3A = vector.extract %slice3A[0] : i32 from vector<1xi32>
      %mul3A_30 = arith.constant 16 : i32
      %mul3A_31 = arith.muli %scan3A_26, %mul3A_30 : i32
      %add3A_32 = arith.addi %mul3A_2, %mul3A_31 : i32
      %add3A_33 = arith.constant 0 : i32
      %add3A_34 = arith.addi %add3A_32, %add3A_33 : i32
      %mul3A_35 = arith.constant 16 : i32
      %mul3A_36 = arith.muli %scan3A_26, %mul3A_35 : i32
      %add3A_37 = arith.constant 0 : i32
      %add3A_38 = arith.addi %mul3A_36, %add3A_37 : i32
      %dma_start3A = arith.constant 0 : i32
      %dma_start3A_39 = tpu.memref_slice %arg5[%add3A_34, %dma_start3A] : memref<16384x64xf32, #tpu.memory_space<hbm>> -> memref<1x64xf32, #tpu.memory_space<hbm>>
      %dma_start3A_40 = arith.constant 0 : i32
      %dma_start3A_41 = tpu.memref_slice %arg3[%squeeze3A, %dma_start3A_40] : memref<1000000x64xf32, #tpu.memory_space<hbm>> -> memref<1x64xf32, #tpu.memory_space<hbm>>
      tpu.enqueue_dma source(%dma_start3A_41 : memref<1x64xf32, #tpu.memory_space<hbm>>) target(%dma_start3A_39 : memref<1x64xf32, #tpu.memory_space<hbm>>) target_semaphore(%arg10 : memref<!tpu.dma_semaphore, #tpu.memory_space<semaphore_mem>>)
      %dma_start3A_42 = arith.constant 0 : i32
      %dma_start3A_43 = tpu.memref_slice %arg9[%add3A_38, %dma_start3A_42] : memref<512x64xf32, #tpu.memory_space<vmem>> -> memref<1x64xf32, #tpu.memory_space<vmem>>
      %dma_start3A_44 = arith.constant 0 : i32
      %dma_start3A_45 = tpu.memref_slice %arg4[%squeeze3A, %dma_start3A_44] : memref<1000000x64xf32, #tpu.memory_space<hbm>> -> memref<1x64xf32, #tpu.memory_space<hbm>>
      %dma_start3A_46 = arith.constant 0 : i32
      %dma_start3A_47 = tpu.memref_slice %arg9[%add3A_38, %dma_start3A_46] : memref<512x64xf32, #tpu.memory_space<vmem>> -> memref<1x64xf32, #tpu.memory_space<vmem>>
      %dma_start3A_48 = arith.constant 0 : i32
      %dma_start3A_49 = tpu.memref_slice %arg4[%squeeze3A, %dma_start3A_48] : memref<1000000x64xf32, #tpu.memory_space<hbm>> -> memref<1x64xf32, #tpu.memory_space<hbm>>
      tpu.enqueue_dma source(%dma_start3A_49 : memref<1x64xf32, #tpu.memory_space<hbm>>) target(%dma_start3A_47 : memref<1x64xf32, #tpu.memory_space<vmem>>) target_semaphore(%arg11 : memref<!tpu.dma_semaphore, #tpu.memory_space<semaphore_mem>>)
      %slice3A_50 = vector.extract_strided_slice %get3A_29 {offsets = [1], sizes = [1], strides = [1]} : vector<16xi32> to vector<1xi32>
      %squeeze3A_51 = vector.extract %slice3A_50[0] : i32 from vector<1xi32>
      %mul3A_52 = arith.constant 16 : i32
      %mul3A_53 = arith.muli %scan3A_26, %mul3A_52 : i32
      %add3A_54 = arith.addi %mul3A_2, %mul3A_53 : i32
      %add3A_55 = arith.constant 1 : i32
      %add3A_56 = arith.addi %add3A_54, %add3A_55 : i32
      %mul3A_57 = arith.constant 16 : i32
      %mul3A_58 = arith.muli %scan3A_26, %mul3A_57 : i32
      %add3A_59 = arith.constant 1 : i32
      %add3A_60 = arith.addi %mul3A_58, %add3A_59 : i32
      %dma_start3A_61 = arith.constant 0 : i32
      %dma_start3A_62 = tpu.memref_slice %arg5[%add3A_56, %dma_start3A_61] : memref<16384x64xf32, #tpu.memory_space<hbm>> -> memref<1x64xf32, #tpu.memory_space<hbm>>
      %dma_start3A_63 = arith.constant 0 : i32
      %dma_start3A_64 = tpu.memref_slice %arg3[%squeeze3A_51, %dma_start3A_63] : memref<1000000x64xf32, #tpu.memory_space<hbm>> -> memref<1x64xf32, #tpu.memory_space<hbm>>
      tpu.enqueue_dma source(%dma_start3A_64 : memref<1x64xf32, #tpu.memory_space<hbm>>) target(%dma_start3A_62 : memref<1x64xf32, #tpu.memory_space<hbm>>) target_semaphore(%arg10 : memref<!tpu.dma_semaphore, #tpu.memory_space<semaphore_mem>>)
      %dma_start3A_65 = arith.constant 0 : i32
      %dma_start3A_66 = tpu.memref_slice %arg9[%add3A_60, %dma_start3A_65] : memref<512x64xf32, #tpu.memory_space<vmem>> -> memref<1x64xf32, #tpu.memory_space<vmem>>
      %dma_start3A_67 = arith.constant 0 : i32
      %dma_start3A_68 = tpu.memref_slice %arg4[%squeeze3A_51, %dma_start3A_67] : memref<1000000x64xf32, #tpu.memory_space<hbm>> -> memref<1x64xf32, #tpu.memory_space<hbm>>
      %dma_start3A_69 = arith.constant 0 : i32
      %dma_start3A_70 = tpu.memref_slice %arg9[%add3A_60, %dma_start3A_69] : memref<512x64xf32, #tpu.memory_space<vmem>> -> memref<1x64xf32, #tpu.memory_space<vmem>>
      %dma_start3A_71 = arith.constant 0 : i32
      %dma_start3A_72 = tpu.memref_slice %arg4[%squeeze3A_51, %dma_start3A_71] : memref<1000000x64xf32, #tpu.memory_space<hbm>> -> memref<1x64xf32, #tpu.memory_space<hbm>>
      tpu.enqueue_dma source(%dma_start3A_72 : memref<1x64xf32, #tpu.memory_space<hbm>>) target(%dma_start3A_70 : memref<1x64xf32, #tpu.memory_space<vmem>>) target_semaphore(%arg11 : memref<!tpu.dma_semaphore, #tpu.memory_space<semaphore_mem>>)
      %slice3A_73 = vector.extract_strided_slice %get3A_29 {offsets = [2], sizes = [1], strides = [1]} : vector<16xi32> to vector<1xi32>
      %squeeze3A_74 = vector.extract %slice3A_73[0] : i32 from vector<1xi32>
      %mul3A_75 = arith.constant 16 : i32
      %mul3A_76 = arith.muli %scan3A_26, %mul3A_75 : i32
      %add3A_77 = arith.addi %mul3A_2, %mul3A_76 : i32
      %add3A_78 = arith.constant 2 : i32
      %add3A_79 = arith.addi %add3A_77, %add3A_78 : i32
      %mul3A_80 = arith.constant 16 : i32
      %mul3A_81 = arith.muli %scan3A_26, %mul3A_80 : i32
      %add3A_82 = arith.constant 2 : i32
      %add3A_83 = arith.addi %mul3A_81, %add3A_82 : i32
      %dma_start3A_84 = arith.constant 0 : i32
      %dma_start3A_85 = tpu.memref_slice %arg5[%add3A_79, %dma_start3A_84] : memref<16384x64xf32, #tpu.memory_space<hbm>> -> memref<1x64xf32, #tpu.memory_space<hbm>>
      %dma_start3A_86 = arith.constant 0 : i32
      %dma_start3A_87 = tpu.memref_slice %arg3[%squeeze3A_74, %dma_start3A_86] : memref<1000000x64xf32, #tpu.memory_space<hbm>> -> memref<1x64xf32, #tpu.memory_space<hbm>>
      tpu.enqueue_dma source(%dma_start3A_87 : memref<1x64xf32, #tpu.memory_space<hbm>>) target(%dma_start3A_85 : memref<1x64xf32, #tpu.memory_space<hbm>>) target_semaphore(%arg10 : memref<!tpu.dma_semaphore, #tpu.memory_space<semaphore_mem>>)
      %dma_start3A_88 = arith.constant 0 : i32
      %dma_start3A_89 = tpu.memref_slice %arg9[%add3A_83, %dma_start3A_88] : memref<512x64xf32, #tpu.memory_space<vmem>> -> memref<1x64xf32, #tpu.memory_space<vmem>>
      %dma_start3A_90 = arith.constant 0 : i32
      %dma_start3A_91 = tpu.memref_slice %arg4[%squeeze3A_74, %dma_start3A_90] : memref<1000000x64xf32, #tpu.memory_space<hbm>> -> memref<1x64xf32, #tpu.memory_space<hbm>>
      %dma_start3A_92 = arith.constant 0 : i32
      %dma_start3A_93 = tpu.memref_slice %arg9[%add3A_83, %dma_start3A_92] : memref<512x64xf32, #tpu.memory_space<vmem>> -> memref<1x64xf32, #tpu.memory_space<vmem>>
      %dma_start3A_94 = arith.constant 0 : i32
      %dma_start3A_95 = tpu.memref_slice %arg4[%squeeze3A_74, %dma_start3A_94] : memref<1000000x64xf32, #tpu.memory_space<hbm>> -> memref<1x64xf32, #tpu.memory_space<hbm>>
      tpu.enqueue_dma source(%dma_start3A_95 : memref<1x64xf32, #tpu.memory_space<hbm>>) target(%dma_start3A_93 : memref<1x64xf32, #tpu.memory_space<vmem>>) target_semaphore(%arg11 : memref<!tpu.dma_semaphore, #tpu.memory_space<semaphore_mem>>)
      %slice3A_96 = vector.extract_strided_slice %get3A_29 {offsets = [3], sizes = [1], strides = [1]} : vector<16xi32> to vector<1xi32>
      %squeeze3A_97 = vector.extract %slice3A_96[0] : i32 from vector<1xi32>
      %mul3A_98 = arith.constant 16 : i32
      %mul3A_99 = arith.muli %scan3A_26, %mul3A_98 : i32
      %add3A_100 = arith.addi %mul3A_2, %mul3A_99 : i32
      %add3A_101 = arith.constant 3 : i32
      %add3A_102 = arith.addi %add3A_100, %add3A_101 : i32
      %mul3A_103 = arith.constant 16 : i32
      %mul3A_104 = arith.muli %scan3A_26, %mul3A_103 : i32
      %add3A_105 = arith.constant 3 : i32
      %add3A_106 = arith.addi %mul3A_104, %add3A_105 : i32
      %dma_start3A_107 = arith.constant 0 : i32
      %dma_start3A_108 = tpu.memref_slice %arg5[%add3A_102, %dma_start3A_107] : memref<16384x64xf32, #tpu.memory_space<hbm>> -> memref<1x64xf32, #tpu.memory_space<hbm>>
      %dma_start3A_109 = arith.constant 0 : i32
      %dma_start3A_110 = tpu.memref_slice %arg3[%squeeze3A_97, %dma_start3A_109] : memref<1000000x64xf32, #tpu.memory_space<hbm>> -> memref<1x64xf32, #tpu.memory_space<hbm>>
      tpu.enqueue_dma source(%dma_start3A_110 : memref<1x64xf32, #tpu.memory_space<hbm>>) target(%dma_start3A_108 : memref<1x64xf32, #tpu.memory_space<hbm>>) target_semaphore(%arg10 : memref<!tpu.dma_semaphore, #tpu.memory_space<semaphore_mem>>)
      %dma_start3A_111 = arith.constant 0 : i32
      %dma_start3A_112 = tpu.memref_slice %arg9[%add3A_106, %dma_start3A_111] : memref<512x64xf32, #tpu.memory_space<vmem>> -> memref<1x64xf32, #tpu.memory_space<vmem>>
      %dma_start3A_113 = arith.constant 0 : i32
      %dma_start3A_114 = tpu.memref_slice %arg4[%squeeze3A_97, %dma_start3A_113] : memref<1000000x64xf32, #tpu.memory_space<hbm>> -> memref<1x64xf32, #tpu.memory_space<hbm>>
      %dma_start3A_115 = arith.constant 0 : i32
      %dma_start3A_116 = tpu.memref_slice %arg9[%add3A_106, %dma_start3A_115] : memref<512x64xf32, #tpu.memory_space<vmem>> -> memref<1x64xf32, #tpu.memory_space<vmem>>
      %dma_start3A_117 = arith.constant 0 : i32
      %dma_start3A_118 = tpu.memref_slice %arg4[%squeeze3A_97, %dma_start3A_117] : memref<1000000x64xf32, #tpu.memory_space<hbm>> -> memref<1x64xf32, #tpu.memory_space<hbm>>
      tpu.enqueue_dma source(%dma_start3A_118 : memref<1x64xf32, #tpu.memory_space<hbm>>) target(%dma_start3A_116 : memref<1x64xf32, #tpu.memory_space<vmem>>) target_semaphore(%arg11 : memref<!tpu.dma_semaphore, #tpu.memory_space<semaphore_mem>>)
      %slice3A_119 = vector.extract_strided_slice %get3A_29 {offsets = [4], sizes = [1], strides = [1]} : vector<16xi32> to vector<1xi32>
      %squeeze3A_120 = vector.extract %slice3A_119[0] : i32 from vector<1xi32>
      %mul3A_121 = arith.constant 16 : i32
      %mul3A_122 = arith.muli %scan3A_26, %mul3A_121 : i32
      %add3A_123 = arith.addi %mul3A_2, %mul3A_122 : i32
      %add3A_124 = arith.constant 4 : i32
      %add3A_125 = arith.addi %add3A_123, %add3A_124 : i32
      %mul3A_126 = arith.constant 16 : i32
      %mul3A_127 = arith.muli %scan3A_26, %mul3A_126 : i32
      %add3A_128 = arith.constant 4 : i32
      %add3A_129 = arith.addi %mul3A_127, %add3A_128 : i32
      %dma_start3A_130 = arith.constant 0 : i32
      %dma_start3A_131 = tpu.memref_slice %arg5[%add3A_125, %dma_start3A_130] : memref<16384x64xf32, #tpu.memory_space<hbm>> -> memref<1x64xf32, #tpu.memory_space<hbm>>
      %dma_start3A_132 = arith.constant 0 : i32
      %dma_start3A_133 = tpu.memref_slice %arg3[%squeeze3A_120, %dma_start3A_132] : memref<1000000x64xf32, #tpu.memory_space<hbm>> -> memref<1x64xf32, #tpu.memory_space<hbm>>
      tpu.enqueue_dma source(%dma_start3A_133 : memref<1x64xf32, #tpu.memory_space<hbm>>) target(%dma_start3A_131 : memref<1x64xf32, #tpu.memory_space<hbm>>) target_semaphore(%arg10 : memref<!tpu.dma_semaphore, #tpu.memory_space<semaphore_mem>>)
      %dma_start3A_134 = arith.constant 0 : i32
      %dma_start3A_135 = tpu.memref_slice %arg9[%add3A_129, %dma_start3A_134] : memref<512x64xf32, #tpu.memory_space<vmem>> -> memref<1x64xf32, #tpu.memory_space<vmem>>
      %dma_start3A_136 = arith.constant 0 : i32
      %dma_start3A_137 = tpu.memref_slice %arg4[%squeeze3A_120, %dma_start3A_136] : memref<1000000x64xf32, #tpu.memory_space<hbm>> -> memref<1x64xf32, #tpu.memory_space<hbm>>
      %dma_start3A_138 = arith.constant 0 : i32
      %dma_start3A_139 = tpu.memref_slice %arg9[%add3A_129, %dma_start3A_138] : memref<512x64xf32, #tpu.memory_space<vmem>> -> memref<1x64xf32, #tpu.memory_space<vmem>>
      %dma_start3A_140 = arith.constant 0 : i32
      %dma_start3A_141 = tpu.memref_slice %arg4[%squeeze3A_120, %dma_start3A_140] : memref<1000000x64xf32, #tpu.memory_space<hbm>> -> memref<1x64xf32, #tpu.memory_space<hbm>>
      tpu.enqueue_dma source(%dma_start3A_141 : memref<1x64xf32, #tpu.memory_space<hbm>>) target(%dma_start3A_139 : memref<1x64xf32, #tpu.memory_space<vmem>>) target_semaphore(%arg11 : memref<!tpu.dma_semaphore, #tpu.memory_space<semaphore_mem>>)
      %slice3A_142 = vector.extract_strided_slice %get3A_29 {offsets = [5], sizes = [1], strides = [1]} : vector<16xi32> to vector<1xi32>
      %squeeze3A_143 = vector.extract %slice3A_142[0] : i32 from vector<1xi32>
      %mul3A_144 = arith.constant 16 : i32
      %mul3A_145 = arith.muli %scan3A_26, %mul3A_144 : i32
      %add3A_146 = arith.addi %mul3A_2, %mul3A_145 : i32
      %add3A_147 = arith.constant 5 : i32
      %add3A_148 = arith.addi %add3A_146, %add3A_147 : i32
      %mul3A_149 = arith.constant 16 : i32
      %mul3A_150 = arith.muli %scan3A_26, %mul3A_149 : i32
      %add3A_151 = arith.constant 5 : i32
      %add3A_152 = arith.addi %mul3A_150, %add3A_151 : i32
      %dma_start3A_153 = arith.constant 0 : i32
      %dma_start3A_154 = tpu.memref_slice %arg5[%add3A_148, %dma_start3A_153] : memref<16384x64xf32, #tpu.memory_space<hbm>> -> memref<1x64xf32, #tpu.memory_space<hbm>>
      %dma_start3A_155 = arith.constant 0 : i32
      %dma_start3A_156 = tpu.memref_slice %arg3[%squeeze3A_143, %dma_start3A_155] : memref<1000000x64xf32, #tpu.memory_space<hbm>> -> memref<1x64xf32, #tpu.memory_space<hbm>>
      tpu.enqueue_dma source(%dma_start3A_156 : memref<1x64xf32, #tpu.memory_space<hbm>>) target(%dma_start3A_154 : memref<1x64xf32, #tpu.memory_space<hbm>>) target_semaphore(%arg10 : memref<!tpu.dma_semaphore, #tpu.memory_space<semaphore_mem>>)
      %dma_start3A_157 = arith.constant 0 : i32
      %dma_start3A_158 = tpu.memref_slice %arg9[%add3A_152, %dma_start3A_157] : memref<512x64xf32, #tpu.memory_space<vmem>> -> memref<1x64xf32, #tpu.memory_space<vmem>>
      %dma_start3A_159 = arith.constant 0 : i32
      %dma_start3A_160 = tpu.memref_slice %arg4[%squeeze3A_143, %dma_start3A_159] : memref<1000000x64xf32, #tpu.memory_space<hbm>> -> memref<1x64xf32, #tpu.memory_space<hbm>>
      %dma_start3A_161 = arith.constant 0 : i32
      %dma_start3A_162 = tpu.memref_slice %arg9[%add3A_152, %dma_start3A_161] : memref<512x64xf32, #tpu.memory_space<vmem>> -> memref<1x64xf32, #tpu.memory_space<vmem>>
      %dma_start3A_163 = arith.constant 0 : i32
      %dma_start3A_164 = tpu.memref_slice %arg4[%squeeze3A_143, %dma_start3A_163] : memref<1000000x64xf32, #tpu.memory_space<hbm>> -> memref<1x64xf32, #tpu.memory_space<hbm>>
      tpu.enqueue_dma source(%dma_start3A_164 : memref<1x64xf32, #tpu.memory_space<hbm>>) target(%dma_start3A_162 : memref<1x64xf32, #tpu.memory_space<vmem>>) target_semaphore(%arg11 : memref<!tpu.dma_semaphore, #tpu.memory_space<semaphore_mem>>)
      %slice3A_165 = vector.extract_strided_slice %get3A_29 {offsets = [6], sizes = [1], strides = [1]} : vector<16xi32> to vector<1xi32>
      %squeeze3A_166 = vector.extract %slice3A_165[0] : i32 from vector<1xi32>
      %mul3A_167 = arith.constant 16 : i32
      %mul3A_168 = arith.muli %scan3A_26, %mul3A_167 : i32
      %add3A_169 = arith.addi %mul3A_2, %mul3A_168 : i32
      %add3A_170 = arith.constant 6 : i32
      %add3A_171 = arith.addi %add3A_169, %add3A_170 : i32
      %mul3A_172 = arith.constant 16 : i32
      %mul3A_173 = arith.muli %scan3A_26, %mul3A_172 : i32
      %add3A_174 = arith.constant 6 : i32
      %add3A_175 = arith.addi %mul3A_173, %add3A_174 : i32
      %dma_start3A_176 = arith.constant 0 : i32
      %dma_start3A_177 = tpu.memref_slice %arg5[%add3A_171, %dma_start3A_176] : memref<16384x64xf32, #tpu.memory_space<hbm>> -> memref<1x64xf32, #tpu.memory_space<hbm>>
      %dma_start3A_178 = arith.constant 0 : i32
      %dma_start3A_179 = tpu.memref_slice %arg3[%squeeze3A_166, %dma_start3A_178] : memref<1000000x64xf32, #tpu.memory_space<hbm>> -> memref<1x64xf32, #tpu.memory_space<hbm>>
      tpu.enqueue_dma source(%dma_start3A_179 : memref<1x64xf32, #tpu.memory_space<hbm>>) target(%dma_start3A_177 : memref<1x64xf32, #tpu.memory_space<hbm>>) target_semaphore(%arg10 : memref<!tpu.dma_semaphore, #tpu.memory_space<semaphore_mem>>)
      %dma_start3A_180 = arith.constant 0 : i32
      %dma_start3A_181 = tpu.memref_slice %arg9[%add3A_175, %dma_start3A_180] : memref<512x64xf32, #tpu.memory_space<vmem>> -> memref<1x64xf32, #tpu.memory_space<vmem>>
      %dma_start3A_182 = arith.constant 0 : i32
      %dma_start3A_183 = tpu.memref_slice %arg4[%squeeze3A_166, %dma_start3A_182] : memref<1000000x64xf32, #tpu.memory_space<hbm>> -> memref<1x64xf32, #tpu.memory_space<hbm>>
      %dma_start3A_184 = arith.constant 0 : i32
      %dma_start3A_185 = tpu.memref_slice %arg9[%add3A_175, %dma_start3A_184] : memref<512x64xf32, #tpu.memory_space<vmem>> -> memref<1x64xf32, #tpu.memory_space<vmem>>
      %dma_start3A_186 = arith.constant 0 : i32
      %dma_start3A_187 = tpu.memref_slice %arg4[%squeeze3A_166, %dma_start3A_186] : memref<1000000x64xf32, #tpu.memory_space<hbm>> -> memref<1x64xf32, #tpu.memory_space<hbm>>
      tpu.enqueue_dma source(%dma_start3A_187 : memref<1x64xf32, #tpu.memory_space<hbm>>) target(%dma_start3A_185 : memref<1x64xf32, #tpu.memory_space<vmem>>) target_semaphore(%arg11 : memref<!tpu.dma_semaphore, #tpu.memory_space<semaphore_mem>>)
      %slice3A_188 = vector.extract_strided_slice %get3A_29 {offsets = [7], sizes = [1], strides = [1]} : vector<16xi32> to vector<1xi32>
      %squeeze3A_189 = vector.extract %slice3A_188[0] : i32 from vector<1xi32>
      %mul3A_190 = arith.constant 16 : i32
      %mul3A_191 = arith.muli %scan3A_26, %mul3A_190 : i32
      %add3A_192 = arith.addi %mul3A_2, %mul3A_191 : i32
      %add3A_193 = arith.constant 7 : i32
      %add3A_194 = arith.addi %add3A_192, %add3A_193 : i32
      %mul3A_195 = arith.constant 16 : i32
      %mul3A_196 = arith.muli %scan3A_26, %mul3A_195 : i32
      %add3A_197 = arith.constant 7 : i32
      %add3A_198 = arith.addi %mul3A_196, %add3A_197 : i32
      %dma_start3A_199 = arith.constant 0 : i32
      %dma_start3A_200 = tpu.memref_slice %arg5[%add3A_194, %dma_start3A_199] : memref<16384x64xf32, #tpu.memory_space<hbm>> -> memref<1x64xf32, #tpu.memory_space<hbm>>
      %dma_start3A_201 = arith.constant 0 : i32
      %dma_start3A_202 = tpu.memref_slice %arg3[%squeeze3A_189, %dma_start3A_201] : memref<1000000x64xf32, #tpu.memory_space<hbm>> -> memref<1x64xf32, #tpu.memory_space<hbm>>
      tpu.enqueue_dma source(%dma_start3A_202 : memref<1x64xf32, #tpu.memory_space<hbm>>) target(%dma_start3A_200 : memref<1x64xf32, #tpu.memory_space<hbm>>) target_semaphore(%arg10 : memref<!tpu.dma_semaphore, #tpu.memory_space<semaphore_mem>>)
      %dma_start3A_203 = arith.constant 0 : i32
      %dma_start3A_204 = tpu.memref_slice %arg9[%add3A_198, %dma_start3A_203] : memref<512x64xf32, #tpu.memory_space<vmem>> -> memref<1x64xf32, #tpu.memory_space<vmem>>
      %dma_start3A_205 = arith.constant 0 : i32
      %dma_start3A_206 = tpu.memref_slice %arg4[%squeeze3A_189, %dma_start3A_205] : memref<1000000x64xf32, #tpu.memory_space<hbm>> -> memref<1x64xf32, #tpu.memory_space<hbm>>
      %dma_start3A_207 = arith.constant 0 : i32
      %dma_start3A_208 = tpu.memref_slice %arg9[%add3A_198, %dma_start3A_207] : memref<512x64xf32, #tpu.memory_space<vmem>> -> memref<1x64xf32, #tpu.memory_space<vmem>>
      %dma_start3A_209 = arith.constant 0 : i32
      %dma_start3A_210 = tpu.memref_slice %arg4[%squeeze3A_189, %dma_start3A_209] : memref<1000000x64xf32, #tpu.memory_space<hbm>> -> memref<1x64xf32, #tpu.memory_space<hbm>>
      tpu.enqueue_dma source(%dma_start3A_210 : memref<1x64xf32, #tpu.memory_space<hbm>>) target(%dma_start3A_208 : memref<1x64xf32, #tpu.memory_space<vmem>>) target_semaphore(%arg11 : memref<!tpu.dma_semaphore, #tpu.memory_space<semaphore_mem>>)
      %slice3A_211 = vector.extract_strided_slice %get3A_29 {offsets = [8], sizes = [1], strides = [1]} : vector<16xi32> to vector<1xi32>
      %squeeze3A_212 = vector.extract %slice3A_211[0] : i32 from vector<1xi32>
      %mul3A_213 = arith.constant 16 : i32
      %mul3A_214 = arith.muli %scan3A_26, %mul3A_213 : i32
      %add3A_215 = arith.addi %mul3A_2, %mul3A_214 : i32
      %add3A_216 = arith.constant 8 : i32
      %add3A_217 = arith.addi %add3A_215, %add3A_216 : i32
      %mul3A_218 = arith.constant 16 : i32
      %mul3A_219 = arith.muli %scan3A_26, %mul3A_218 : i32
      %add3A_220 = arith.constant 8 : i32
      %add3A_221 = arith.addi %mul3A_219, %add3A_220 : i32
      %dma_start3A_222 = arith.constant 0 : i32
      %dma_start3A_223 = tpu.memref_slice %arg5[%add3A_217, %dma_start3A_222] : memref<16384x64xf32, #tpu.memory_space<hbm>> -> memref<1x64xf32, #tpu.memory_space<hbm>>
      %dma_start3A_224 = arith.constant 0 : i32
      %dma_start3A_225 = tpu.memref_slice %arg3[%squeeze3A_212, %dma_start3A_224] : memref<1000000x64xf32, #tpu.memory_space<hbm>> -> memref<1x64xf32, #tpu.memory_space<hbm>>
      tpu.enqueue_dma source(%dma_start3A_225 : memref<1x64xf32, #tpu.memory_space<hbm>>) target(%dma_start3A_223 : memref<1x64xf32, #tpu.memory_space<hbm>>) target_semaphore(%arg10 : memref<!tpu.dma_semaphore, #tpu.memory_space<semaphore_mem>>)
      %dma_start3A_226 = arith.constant 0 : i32
      %dma_start3A_227 = tpu.memref_slice %arg9[%add3A_221, %dma_start3A_226] : memref<512x64xf32, #tpu.memory_space<vmem>> -> memref<1x64xf32, #tpu.memory_space<vmem>>
      %dma_start3A_228 = arith.constant 0 : i32
      %dma_start3A_229 = tpu.memref_slice %arg4[%squeeze3A_212, %dma_start3A_228] : memref<1000000x64xf32, #tpu.memory_space<hbm>> -> memref<1x64xf32, #tpu.memory_space<hbm>>
      %dma_start3A_230 = arith.constant 0 : i32
      %dma_start3A_231 = tpu.memref_slice %arg9[%add3A_221, %dma_start3A_230] : memref<512x64xf32, #tpu.memory_space<vmem>> -> memref<1x64xf32, #tpu.memory_space<vmem>>
      %dma_start3A_232 = arith.constant 0 : i32
      %dma_start3A_233 = tpu.memref_slice %arg4[%squeeze3A_212, %dma_start3A_232] : memref<1000000x64xf32, #tpu.memory_space<hbm>> -> memref<1x64xf32, #tpu.memory_space<hbm>>
      tpu.enqueue_dma source(%dma_start3A_233 : memref<1x64xf32, #tpu.memory_space<hbm>>) target(%dma_start3A_231 : memref<1x64xf32, #tpu.memory_space<vmem>>) target_semaphore(%arg11 : memref<!tpu.dma_semaphore, #tpu.memory_space<semaphore_mem>>)
      %slice3A_234 = vector.extract_strided_slice %get3A_29 {offsets = [9], sizes = [1], strides = [1]} : vector<16xi32> to vector<1xi32>
      %squeeze3A_235 = vector.extract %slice3A_234[0] : i32 from vector<1xi32>
      %mul3A_236 = arith.constant 16 : i32
      %mul3A_237 = arith.muli %scan3A_26, %mul3A_236 : i32
      %add3A_238 = arith.addi %mul3A_2, %mul3A_237 : i32
      %add3A_239 = arith.constant 9 : i32
      %add3A_240 = arith.addi %add3A_238, %add3A_239 : i32
      %mul3A_241 = arith.constant 16 : i32
      %mul3A_242 = arith.muli %scan3A_26, %mul3A_241 : i32
      %add3A_243 = arith.constant 9 : i32
      %add3A_244 = arith.addi %mul3A_242, %add3A_243 : i32
      %dma_start3A_245 = arith.constant 0 : i32
      %dma_start3A_246 = tpu.memref_slice %arg5[%add3A_240, %dma_start3A_245] : memref<16384x64xf32, #tpu.memory_space<hbm>> -> memref<1x64xf32, #tpu.memory_space<hbm>>
      %dma_start3A_247 = arith.constant 0 : i32
      %dma_start3A_248 = tpu.memref_slice %arg3[%squeeze3A_235, %dma_start3A_247] : memref<1000000x64xf32, #tpu.memory_space<hbm>> -> memref<1x64xf32, #tpu.memory_space<hbm>>
      tpu.enqueue_dma source(%dma_start3A_248 : memref<1x64xf32, #tpu.memory_space<hbm>>) target(%dma_start3A_246 : memref<1x64xf32, #tpu.memory_space<hbm>>) target_semaphore(%arg10 : memref<!tpu.dma_semaphore, #tpu.memory_space<semaphore_mem>>)
      %dma_start3A_249 = arith.constant 0 : i32
      %dma_start3A_250 = tpu.memref_slice %arg9[%add3A_244, %dma_start3A_249] : memref<512x64xf32, #tpu.memory_space<vmem>> -> memref<1x64xf32, #tpu.memory_space<vmem>>
      %dma_start3A_251 = arith.constant 0 : i32
      %dma_start3A_252 = tpu.memref_slice %arg4[%squeeze3A_235, %dma_start3A_251] : memref<1000000x64xf32, #tpu.memory_space<hbm>> -> memref<1x64xf32, #tpu.memory_space<hbm>>
      %dma_start3A_253 = arith.constant 0 : i32
      %dma_start3A_254 = tpu.memref_slice %arg9[%add3A_244, %dma_start3A_253] : memref<512x64xf32, #tpu.memory_space<vmem>> -> memref<1x64xf32, #tpu.memory_space<vmem>>
      %dma_start3A_255 = arith.constant 0 : i32
      %dma_start3A_256 = tpu.memref_slice %arg4[%squeeze3A_235, %dma_start3A_255] : memref<1000000x64xf32, #tpu.memory_space<hbm>> -> memref<1x64xf32, #tpu.memory_space<hbm>>
      tpu.enqueue_dma source(%dma_start3A_256 : memref<1x64xf32, #tpu.memory_space<hbm>>) target(%dma_start3A_254 : memref<1x64xf32, #tpu.memory_space<vmem>>) target_semaphore(%arg11 : memref<!tpu.dma_semaphore, #tpu.memory_space<semaphore_mem>>)
      %slice3A_257 = vector.extract_strided_slice %get3A_29 {offsets = [10], sizes = [1], strides = [1]} : vector<16xi32> to vector<1xi32>
      %squeeze3A_258 = vector.extract %slice3A_257[0] : i32 from vector<1xi32>
      %mul3A_259 = arith.constant 16 : i32
      %mul3A_260 = arith.muli %scan3A_26, %mul3A_259 : i32
      %add3A_261 = arith.addi %mul3A_2, %mul3A_260 : i32
      %add3A_262 = arith.constant 10 : i32
      %add3A_263 = arith.addi %add3A_261, %add3A_262 : i32
      %mul3A_264 = arith.constant 16 : i32
      %mul3A_265 = arith.muli %scan3A_26, %mul3A_264 : i32
      %add3A_266 = arith.constant 10 : i32
      %add3A_267 = arith.addi %mul3A_265, %add3A_266 : i32
      %dma_start3A_268 = arith.constant 0 : i32
      %dma_start3A_269 = tpu.memref_slice %arg5[%add3A_263, %dma_start3A_268] : memref<16384x64xf32, #tpu.memory_space<hbm>> -> memref<1x64xf32, #tpu.memory_space<hbm>>
      %dma_start3A_270 = arith.constant 0 : i32
      %dma_start3A_271 = tpu.memref_slice %arg3[%squeeze3A_258, %dma_start3A_270] : memref<1000000x64xf32, #tpu.memory_space<hbm>> -> memref<1x64xf32, #tpu.memory_space<hbm>>
      tpu.enqueue_dma source(%dma_start3A_271 : memref<1x64xf32, #tpu.memory_space<hbm>>) target(%dma_start3A_269 : memref<1x64xf32, #tpu.memory_space<hbm>>) target_semaphore(%arg10 : memref<!tpu.dma_semaphore, #tpu.memory_space<semaphore_mem>>)
      %dma_start3A_272 = arith.constant 0 : i32
      %dma_start3A_273 = tpu.memref_slice %arg9[%add3A_267, %dma_start3A_272] : memref<512x64xf32, #tpu.memory_space<vmem>> -> memref<1x64xf32, #tpu.memory_space<vmem>>
      %dma_start3A_274 = arith.constant 0 : i32
      %dma_start3A_275 = tpu.memref_slice %arg4[%squeeze3A_258, %dma_start3A_274] : memref<1000000x64xf32, #tpu.memory_space<hbm>> -> memref<1x64xf32, #tpu.memory_space<hbm>>
      %dma_start3A_276 = arith.constant 0 : i32
      %dma_start3A_277 = tpu.memref_slice %arg9[%add3A_267, %dma_start3A_276] : memref<512x64xf32, #tpu.memory_space<vmem>> -> memref<1x64xf32, #tpu.memory_space<vmem>>
      %dma_start3A_278 = arith.constant 0 : i32
      %dma_start3A_279 = tpu.memref_slice %arg4[%squeeze3A_258, %dma_start3A_278] : memref<1000000x64xf32, #tpu.memory_space<hbm>> -> memref<1x64xf32, #tpu.memory_space<hbm>>
      tpu.enqueue_dma source(%dma_start3A_279 : memref<1x64xf32, #tpu.memory_space<hbm>>) target(%dma_start3A_277 : memref<1x64xf32, #tpu.memory_space<vmem>>) target_semaphore(%arg11 : memref<!tpu.dma_semaphore, #tpu.memory_space<semaphore_mem>>)
      %slice3A_280 = vector.extract_strided_slice %get3A_29 {offsets = [11], sizes = [1], strides = [1]} : vector<16xi32> to vector<1xi32>
      %squeeze3A_281 = vector.extract %slice3A_280[0] : i32 from vector<1xi32>
      %mul3A_282 = arith.constant 16 : i32
      %mul3A_283 = arith.muli %scan3A_26, %mul3A_282 : i32
      %add3A_284 = arith.addi %mul3A_2, %mul3A_283 : i32
      %add3A_285 = arith.constant 11 : i32
      %add3A_286 = arith.addi %add3A_284, %add3A_285 : i32
      %mul3A_287 = arith.constant 16 : i32
      %mul3A_288 = arith.muli %scan3A_26, %mul3A_287 : i32
      %add3A_289 = arith.constant 11 : i32
      %add3A_290 = arith.addi %mul3A_288, %add3A_289 : i32
      %dma_start3A_291 = arith.constant 0 : i32
      %dma_start3A_292 = tpu.memref_slice %arg5[%add3A_286, %dma_start3A_291] : memref<16384x64xf32, #tpu.memory_space<hbm>> -> memref<1x64xf32, #tpu.memory_space<hbm>>
      %dma_start3A_293 = arith.constant 0 : i32
      %dma_start3A_294 = tpu.memref_slice %arg3[%squeeze3A_281, %dma_start3A_293] : memref<1000000x64xf32, #tpu.memory_space<hbm>> -> memref<1x64xf32, #tpu.memory_space<hbm>>
      tpu.enqueue_dma source(%dma_start3A_294 : memref<1x64xf32, #tpu.memory_space<hbm>>) target(%dma_start3A_292 : memref<1x64xf32, #tpu.memory_space<hbm>>) target_semaphore(%arg10 : memref<!tpu.dma_semaphore, #tpu.memory_space<semaphore_mem>>)
      %dma_start3A_295 = arith.constant 0 : i32
      %dma_start3A_296 = tpu.memref_slice %arg9[%add3A_290, %dma_start3A_295] : memref<512x64xf32, #tpu.memory_space<vmem>> -> memref<1x64xf32, #tpu.memory_space<vmem>>
      %dma_start3A_297 = arith.constant 0 : i32
      %dma_start3A_298 = tpu.memref_slice %arg4[%squeeze3A_281, %dma_start3A_297] : memref<1000000x64xf32, #tpu.memory_space<hbm>> -> memref<1x64xf32, #tpu.memory_space<hbm>>
      %dma_start3A_299 = arith.constant 0 : i32
      %dma_start3A_300 = tpu.memref_slice %arg9[%add3A_290, %dma_start3A_299] : memref<512x64xf32, #tpu.memory_space<vmem>> -> memref<1x64xf32, #tpu.memory_space<vmem>>
      %dma_start3A_301 = arith.constant 0 : i32
      %dma_start3A_302 = tpu.memref_slice %arg4[%squeeze3A_281, %dma_start3A_301] : memref<1000000x64xf32, #tpu.memory_space<hbm>> -> memref<1x64xf32, #tpu.memory_space<hbm>>
      tpu.enqueue_dma source(%dma_start3A_302 : memref<1x64xf32, #tpu.memory_space<hbm>>) target(%dma_start3A_300 : memref<1x64xf32, #tpu.memory_space<vmem>>) target_semaphore(%arg11 : memref<!tpu.dma_semaphore, #tpu.memory_space<semaphore_mem>>)
      %slice3A_303 = vector.extract_strided_slice %get3A_29 {offsets = [12], sizes = [1], strides = [1]} : vector<16xi32> to vector<1xi32>
      %squeeze3A_304 = vector.extract %slice3A_303[0] : i32 from vector<1xi32>
      %mul3A_305 = arith.constant 16 : i32
      %mul3A_306 = arith.muli %scan3A_26, %mul3A_305 : i32
      %add3A_307 = arith.addi %mul3A_2, %mul3A_306 : i32
      %add3A_308 = arith.constant 12 : i32
      %add3A_309 = arith.addi %add3A_307, %add3A_308 : i32
      %mul3A_310 = arith.constant 16 : i32
      %mul3A_311 = arith.muli %scan3A_26, %mul3A_310 : i32
      %add3A_312 = arith.constant 12 : i32
      %add3A_313 = arith.addi %mul3A_311, %add3A_312 : i32
      %dma_start3A_314 = arith.constant 0 : i32
      %dma_start3A_315 = tpu.memref_slice %arg5[%add3A_309, %dma_start3A_314] : memref<16384x64xf32, #tpu.memory_space<hbm>> -> memref<1x64xf32, #tpu.memory_space<hbm>>
      %dma_start3A_316 = arith.constant 0 : i32
      %dma_start3A_317 = tpu.memref_slice %arg3[%squeeze3A_304, %dma_start3A_316] : memref<1000000x64xf32, #tpu.memory_space<hbm>> -> memref<1x64xf32, #tpu.memory_space<hbm>>
      tpu.enqueue_dma source(%dma_start3A_317 : memref<1x64xf32, #tpu.memory_space<hbm>>) target(%dma_start3A_315 : memref<1x64xf32, #tpu.memory_space<hbm>>) target_semaphore(%arg10 : memref<!tpu.dma_semaphore, #tpu.memory_space<semaphore_mem>>)
      %dma_start3A_318 = arith.constant 0 : i32
      %dma_start3A_319 = tpu.memref_slice %arg9[%add3A_313, %dma_start3A_318] : memref<512x64xf32, #tpu.memory_space<vmem>> -> memref<1x64xf32, #tpu.memory_space<vmem>>
      %dma_start3A_320 = arith.constant 0 : i32
      %dma_start3A_321 = tpu.memref_slice %arg4[%squeeze3A_304, %dma_start3A_320] : memref<1000000x64xf32, #tpu.memory_space<hbm>> -> memref<1x64xf32, #tpu.memory_space<hbm>>
      %dma_start3A_322 = arith.constant 0 : i32
      %dma_start3A_323 = tpu.memref_slice %arg9[%add3A_313, %dma_start3A_322] : memref<512x64xf32, #tpu.memory_space<vmem>> -> memref<1x64xf32, #tpu.memory_space<vmem>>
      %dma_start3A_324 = arith.constant 0 : i32
      %dma_start3A_325 = tpu.memref_slice %arg4[%squeeze3A_304, %dma_start3A_324] : memref<1000000x64xf32, #tpu.memory_space<hbm>> -> memref<1x64xf32, #tpu.memory_space<hbm>>
      tpu.enqueue_dma source(%dma_start3A_325 : memref<1x64xf32, #tpu.memory_space<hbm>>) target(%dma_start3A_323 : memref<1x64xf32, #tpu.memory_space<vmem>>) target_semaphore(%arg11 : memref<!tpu.dma_semaphore, #tpu.memory_space<semaphore_mem>>)
      %slice3A_326 = vector.extract_strided_slice %get3A_29 {offsets = [13], sizes = [1], strides = [1]} : vector<16xi32> to vector<1xi32>
      %squeeze3A_327 = vector.extract %slice3A_326[0] : i32 from vector<1xi32>
      %mul3A_328 = arith.constant 16 : i32
      %mul3A_329 = arith.muli %scan3A_26, %mul3A_328 : i32
      %add3A_330 = arith.addi %mul3A_2, %mul3A_329 : i32
      %add3A_331 = arith.constant 13 : i32
      %add3A_332 = arith.addi %add3A_330, %add3A_331 : i32
      %mul3A_333 = arith.constant 16 : i32
      %mul3A_334 = arith.muli %scan3A_26, %mul3A_333 : i32
      %add3A_335 = arith.constant 13 : i32
      %add3A_336 = arith.addi %mul3A_334, %add3A_335 : i32
      %dma_start3A_337 = arith.constant 0 : i32
      %dma_start3A_338 = tpu.memref_slice %arg5[%add3A_332, %dma_start3A_337] : memref<16384x64xf32, #tpu.memory_space<hbm>> -> memref<1x64xf32, #tpu.memory_space<hbm>>
      %dma_start3A_339 = arith.constant 0 : i32
      %dma_start3A_340 = tpu.memref_slice %arg3[%squeeze3A_327, %dma_start3A_339] : memref<1000000x64xf32, #tpu.memory_space<hbm>> -> memref<1x64xf32, #tpu.memory_space<hbm>>
      tpu.enqueue_dma source(%dma_start3A_340 : memref<1x64xf32, #tpu.memory_space<hbm>>) target(%dma_start3A_338 : memref<1x64xf32, #tpu.memory_space<hbm>>) target_semaphore(%arg10 : memref<!tpu.dma_semaphore, #tpu.memory_space<semaphore_mem>>)
      %dma_start3A_341 = arith.constant 0 : i32
      %dma_start3A_342 = tpu.memref_slice %arg9[%add3A_336, %dma_start3A_341] : memref<512x64xf32, #tpu.memory_space<vmem>> -> memref<1x64xf32, #tpu.memory_space<vmem>>
      %dma_start3A_343 = arith.constant 0 : i32
      %dma_start3A_344 = tpu.memref_slice %arg4[%squeeze3A_327, %dma_start3A_343] : memref<1000000x64xf32, #tpu.memory_space<hbm>> -> memref<1x64xf32, #tpu.memory_space<hbm>>
      %dma_start3A_345 = arith.constant 0 : i32
      %dma_start3A_346 = tpu.memref_slice %arg9[%add3A_336, %dma_start3A_345] : memref<512x64xf32, #tpu.memory_space<vmem>> -> memref<1x64xf32, #tpu.memory_space<vmem>>
      %dma_start3A_347 = arith.constant 0 : i32
      %dma_start3A_348 = tpu.memref_slice %arg4[%squeeze3A_327, %dma_start3A_347] : memref<1000000x64xf32, #tpu.memory_space<hbm>> -> memref<1x64xf32, #tpu.memory_space<hbm>>
      tpu.enqueue_dma source(%dma_start3A_348 : memref<1x64xf32, #tpu.memory_space<hbm>>) target(%dma_start3A_346 : memref<1x64xf32, #tpu.memory_space<vmem>>) target_semaphore(%arg11 : memref<!tpu.dma_semaphore, #tpu.memory_space<semaphore_mem>>)
      %slice3A_349 = vector.extract_strided_slice %get3A_29 {offsets = [14], sizes = [1], strides = [1]} : vector<16xi32> to vector<1xi32>
      %squeeze3A_350 = vector.extract %slice3A_349[0] : i32 from vector<1xi32>
      %mul3A_351 = arith.constant 16 : i32
      %mul3A_352 = arith.muli %scan3A_26, %mul3A_351 : i32
      %add3A_353 = arith.addi %mul3A_2, %mul3A_352 : i32
      %add3A_354 = arith.constant 14 : i32
      %add3A_355 = arith.addi %add3A_353, %add3A_354 : i32
      %mul3A_356 = arith.constant 16 : i32
      %mul3A_357 = arith.muli %scan3A_26, %mul3A_356 : i32
      %add3A_358 = arith.constant 14 : i32
      %add3A_359 = arith.addi %mul3A_357, %add3A_358 : i32
      %dma_start3A_360 = arith.constant 0 : i32
      %dma_start3A_361 = tpu.memref_slice %arg5[%add3A_355, %dma_start3A_360] : memref<16384x64xf32, #tpu.memory_space<hbm>> -> memref<1x64xf32, #tpu.memory_space<hbm>>
      %dma_start3A_362 = arith.constant 0 : i32
      %dma_start3A_363 = tpu.memref_slice %arg3[%squeeze3A_350, %dma_start3A_362] : memref<1000000x64xf32, #tpu.memory_space<hbm>> -> memref<1x64xf32, #tpu.memory_space<hbm>>
      tpu.enqueue_dma source(%dma_start3A_363 : memref<1x64xf32, #tpu.memory_space<hbm>>) target(%dma_start3A_361 : memref<1x64xf32, #tpu.memory_space<hbm>>) target_semaphore(%arg10 : memref<!tpu.dma_semaphore, #tpu.memory_space<semaphore_mem>>)
      %dma_start3A_364 = arith.constant 0 : i32
      %dma_start3A_365 = tpu.memref_slice %arg9[%add3A_359, %dma_start3A_364] : memref<512x64xf32, #tpu.memory_space<vmem>> -> memref<1x64xf32, #tpu.memory_space<vmem>>
      %dma_start3A_366 = arith.constant 0 : i32
      %dma_start3A_367 = tpu.memref_slice %arg4[%squeeze3A_350, %dma_start3A_366] : memref<1000000x64xf32, #tpu.memory_space<hbm>> -> memref<1x64xf32, #tpu.memory_space<hbm>>
      %dma_start3A_368 = arith.constant 0 : i32
      %dma_start3A_369 = tpu.memref_slice %arg9[%add3A_359, %dma_start3A_368] : memref<512x64xf32, #tpu.memory_space<vmem>> -> memref<1x64xf32, #tpu.memory_space<vmem>>
      %dma_start3A_370 = arith.constant 0 : i32
      %dma_start3A_371 = tpu.memref_slice %arg4[%squeeze3A_350, %dma_start3A_370] : memref<1000000x64xf32, #tpu.memory_space<hbm>> -> memref<1x64xf32, #tpu.memory_space<hbm>>
      tpu.enqueue_dma source(%dma_start3A_371 : memref<1x64xf32, #tpu.memory_space<hbm>>) target(%dma_start3A_369 : memref<1x64xf32, #tpu.memory_space<vmem>>) target_semaphore(%arg11 : memref<!tpu.dma_semaphore, #tpu.memory_space<semaphore_mem>>)
      %slice3A_372 = vector.extract_strided_slice %get3A_29 {offsets = [15], sizes = [1], strides = [1]} : vector<16xi32> to vector<1xi32>
      %squeeze3A_373 = vector.extract %slice3A_372[0] : i32 from vector<1xi32>
      %mul3A_374 = arith.constant 16 : i32
      %mul3A_375 = arith.muli %scan3A_26, %mul3A_374 : i32
      %add3A_376 = arith.addi %mul3A_2, %mul3A_375 : i32
      %add3A_377 = arith.constant 15 : i32
      %add3A_378 = arith.addi %add3A_376, %add3A_377 : i32
      %mul3A_379 = arith.constant 16 : i32
      %mul3A_380 = arith.muli %scan3A_26, %mul3A_379 : i32
      %add3A_381 = arith.constant 15 : i32
      %add3A_382 = arith.addi %mul3A_380, %add3A_381 : i32
      %dma_start3A_383 = arith.constant 0 : i32
      %dma_start3A_384 = tpu.memref_slice %arg5[%add3A_378, %dma_start3A_383] : memref<16384x64xf32, #tpu.memory_space<hbm>> -> memref<1x64xf32, #tpu.memory_space<hbm>>
      %dma_start3A_385 = arith.constant 0 : i32
      %dma_start3A_386 = tpu.memref_slice %arg3[%squeeze3A_373, %dma_start3A_385] : memref<1000000x64xf32, #tpu.memory_space<hbm>> -> memref<1x64xf32, #tpu.memory_space<hbm>>
      tpu.enqueue_dma source(%dma_start3A_386 : memref<1x64xf32, #tpu.memory_space<hbm>>) target(%dma_start3A_384 : memref<1x64xf32, #tpu.memory_space<hbm>>) target_semaphore(%arg10 : memref<!tpu.dma_semaphore, #tpu.memory_space<semaphore_mem>>)
      %dma_start3A_387 = arith.constant 0 : i32
      %dma_start3A_388 = tpu.memref_slice %arg9[%add3A_382, %dma_start3A_387] : memref<512x64xf32, #tpu.memory_space<vmem>> -> memref<1x64xf32, #tpu.memory_space<vmem>>
      %dma_start3A_389 = arith.constant 0 : i32
      %dma_start3A_390 = tpu.memref_slice %arg4[%squeeze3A_373, %dma_start3A_389] : memref<1000000x64xf32, #tpu.memory_space<hbm>> -> memref<1x64xf32, #tpu.memory_space<hbm>>
      %dma_start3A_391 = arith.constant 0 : i32
      %dma_start3A_392 = tpu.memref_slice %arg9[%add3A_382, %dma_start3A_391] : memref<512x64xf32, #tpu.memory_space<vmem>> -> memref<1x64xf32, #tpu.memory_space<vmem>>
      %dma_start3A_393 = arith.constant 0 : i32
      %dma_start3A_394 = tpu.memref_slice %arg4[%squeeze3A_373, %dma_start3A_393] : memref<1000000x64xf32, #tpu.memory_space<hbm>> -> memref<1x64xf32, #tpu.memory_space<hbm>>
      tpu.enqueue_dma source(%dma_start3A_394 : memref<1x64xf32, #tpu.memory_space<hbm>>) target(%dma_start3A_392 : memref<1x64xf32, #tpu.memory_space<vmem>>) target_semaphore(%arg11 : memref<!tpu.dma_semaphore, #tpu.memory_space<semaphore_mem>>)
    }
    %scan3A_9 = arith.constant 32 : i32
    %dma_wait3A = arith.constant 0 : i32
    %dma_wait3A_10 = arith.constant 0 : i32
    %dma_wait3A_11 = tpu.memref_slice %arg4[%dma_wait3A, %dma_wait3A_10] : memref<1000000x64xf32, #tpu.memory_space<hbm>> -> memref<512x64xf32, #tpu.memory_space<hbm>>
    %dma_wait3A_12 = arith.constant 0 : i32
    %dma_wait3A_13 = arith.constant 0 : i32
    %dma_wait3A_14 = tpu.memref_slice %arg4[%dma_wait3A_12, %dma_wait3A_13] : memref<1000000x64xf32, #tpu.memory_space<hbm>> -> memref<512x64xf32, #tpu.memory_space<hbm>>
    tpu.wait_dma2 semaphore(%arg11 : memref<!tpu.dma_semaphore, #tpu.memory_space<semaphore_mem>>) src(%dma_wait3A_14 : memref<512x64xf32, #tpu.memory_space<hbm>>) dst(%arg9 : memref<512x64xf32, #tpu.memory_space<vmem>>)
    "tpu.region"() ({
      %run_scoped3A = tpu.sem_alloc : memref<!tpu.dma_semaphore, #tpu.memory_space<semaphore_mem>>
      %dma_start3A = arith.constant 0 : i32
      %dma_start3A_26 = tpu.memref_slice %arg6[%mul3A_2, %dma_start3A] : memref<16384x64xf32, #tpu.memory_space<hbm>> -> memref<512x64xf32, #tpu.memory_space<hbm>>
      %dma_start3A_27 = arith.constant 0 : i32
      %dma_start3A_28 = tpu.memref_slice %arg6[%mul3A_2, %dma_start3A_27] : memref<16384x64xf32, #tpu.memory_space<hbm>> -> memref<512x64xf32, #tpu.memory_space<hbm>>
      tpu.enqueue_dma source(%arg9 : memref<512x64xf32, #tpu.memory_space<vmem>>) target(%dma_start3A_28 : memref<512x64xf32, #tpu.memory_space<hbm>>) target_semaphore(%run_scoped3A : memref<!tpu.dma_semaphore, #tpu.memory_space<semaphore_mem>>)
      %dma_wait3A_29 = arith.constant 0 : i32
      %dma_wait3A_30 = tpu.memref_slice %arg6[%mul3A_2, %dma_wait3A_29] : memref<16384x64xf32, #tpu.memory_space<hbm>> -> memref<512x64xf32, #tpu.memory_space<hbm>>
      %dma_wait3A_31 = arith.constant 0 : i32
      %dma_wait3A_32 = tpu.memref_slice %arg6[%mul3A_2, %dma_wait3A_31] : memref<16384x64xf32, #tpu.memory_space<hbm>> -> memref<512x64xf32, #tpu.memory_space<hbm>>
      tpu.wait_dma2 semaphore(%run_scoped3A : memref<!tpu.dma_semaphore, #tpu.memory_space<semaphore_mem>>) src(%arg9 : memref<512x64xf32, #tpu.memory_space<vmem>>) dst(%dma_wait3A_32 : memref<512x64xf32, #tpu.memory_space<hbm>>)
      tpu.yield
    }) : () -> ()
    %scan3A_15 = arith.constant 0 : i32
    %scan3A_16 = arith.constant 0 : i32
    %scan3A_17 = arith.constant 512 : i32
    %scan3A_18 = arith.addi %scan3A_16, %scan3A_17 : i32
    %scan3A_19 = arith.constant 4 : i32
    scf.for %scan3A_26 = %scan3A_16 to %scan3A_18 step %scan3A_19  : i32 {
      %get3A = arith.index_cast %scan3A_26 : i32 to index
      %get3A_27 = arith.constant 0 : index
      %get3A_28 = tpu.vector_load %arg9[%get3A, %get3A_27] {strides = array<i32>} : memref<512x64xf32, #tpu.memory_space<vmem>>, vector<1x16xf32>,
      %get3A_29 = vector.shape_cast %get3A_28 : vector<1x16xf32> to vector<16xf32>
      %mul3A_30 = arith.constant 5.000000e-01 : f32
      %mul3A_31 = vector.broadcast %mul3A_30 : f32 to vector<16xf32>
      %mul3A_32 = arith.mulf %get3A_29, %mul3A_31 : vector<16xf32>
      %exp3A = math.exp %mul3A_32 : vector<16xf32>
      %swap3A = arith.index_cast %scan3A_26 : i32 to index
      %swap3A_33 = arith.constant 0 : index
      %swap3A_34 = tpu.vector_load %arg9[%swap3A, %swap3A_33] {strides = array<i32>} : memref<512x64xf32, #tpu.memory_space<vmem>>, vector<1x16xf32>,
      %swap3A_35 = vector.shape_cast %swap3A_34 : vector<1x16xf32> to vector<16xf32>
      %swap3A_36 = vector.shape_cast %exp3A : vector<16xf32> to vector<1x16xf32>
      tpu.vector_store %arg9[%swap3A, %swap3A_33], %swap3A_36 {strides = array<i32>} : memref<512x64xf32, #tpu.memory_space<vmem>>, vector<1x16xf32>,
      %get3A_37 = arith.index_cast %scan3A_26 : i32 to index
      %get3A_38 = arith.constant 16 : index
      %get3A_39 = tpu.vector_load %arg9[%get3A_37, %get3A_38] {strides = array<i32>} : memref<512x64xf32, #tpu.memory_space<vmem>>, vector<1x16xf32>,
      %get3A_40 = vector.shape_cast %get3A_39 : vector<1x16xf32> to vector<16xf32>
      %mul3A_41 = arith.constant 5.000000e-01 : f32
      %mul3A_42 = vector.broadcast %mul3A_41 : f32 to vector<16xf32>
      %mul3A_43 = arith.mulf %get3A_40, %mul3A_42 : vector<16xf32>
      %exp3A_44 = math.exp %mul3A_43 : vector<16xf32>
      %swap3A_45 = arith.index_cast %scan3A_26 : i32 to index
      %swap3A_46 = arith.constant 16 : index
      %swap3A_47 = tpu.vector_load %arg9[%swap3A_45, %swap3A_46] {strides = array<i32>} : memref<512x64xf32, #tpu.memory_space<vmem>>, vector<1x16xf32>,
      %swap3A_48 = vector.shape_cast %swap3A_47 : vector<1x16xf32> to vector<16xf32>
      %swap3A_49 = vector.shape_cast %exp3A_44 : vector<16xf32> to vector<1x16xf32>
      tpu.vector_store %arg9[%swap3A_45, %swap3A_46], %swap3A_49 {strides = array<i32>} : memref<512x64xf32, #tpu.memory_space<vmem>>, vector<1x16xf32>,
      %get3A_50 = arith.index_cast %scan3A_26 : i32 to index
      %get3A_51 = arith.constant 32 : index
      %get3A_52 = tpu.vector_load %arg9[%get3A_50, %get3A_51] {strides = array<i32>} : memref<512x64xf32, #tpu.memory_space<vmem>>, vector<1x16xf32>,
      %get3A_53 = vector.shape_cast %get3A_52 : vector<1x16xf32> to vector<16xf32>
      %mul3A_54 = arith.constant 5.000000e-01 : f32
      %mul3A_55 = vector.broadcast %mul3A_54 : f32 to vector<16xf32>
      %mul3A_56 = arith.mulf %get3A_53, %mul3A_55 : vector<16xf32>
      %exp3A_57 = math.exp %mul3A_56 : vector<16xf32>
      %swap3A_58 = arith.index_cast %scan3A_26 : i32 to index
      %swap3A_59 = arith.constant 32 : index
      %swap3A_60 = tpu.vector_load %arg9[%swap3A_58, %swap3A_59] {strides = array<i32>} : memref<512x64xf32, #tpu.memory_space<vmem>>, vector<1x16xf32>,
      %swap3A_61 = vector.shape_cast %swap3A_60 : vector<1x16xf32> to vector<16xf32>
      %swap3A_62 = vector.shape_cast %exp3A_57 : vector<16xf32> to vector<1x16xf32>
      tpu.vector_store %arg9[%swap3A_58, %swap3A_59], %swap3A_62 {strides = array<i32>} : memref<512x64xf32, #tpu.memory_space<vmem>>, vector<1x16xf32>,
      %get3A_63 = arith.index_cast %scan3A_26 : i32 to index
      %get3A_64 = arith.constant 48 : index
      %get3A_65 = tpu.vector_load %arg9[%get3A_63, %get3A_64] {strides = array<i32>} : memref<512x64xf32, #tpu.memory_space<vmem>>, vector<1x16xf32>,
      %get3A_66 = vector.shape_cast %get3A_65 : vector<1x16xf32> to vector<16xf32>
      %mul3A_67 = arith.constant 5.000000e-01 : f32
      %mul3A_68 = vector.broadcast %mul3A_67 : f32 to vector<16xf32>
      %mul3A_69 = arith.mulf %get3A_66, %mul3A_68 : vector<16xf32>
      %exp3A_70 = math.exp %mul3A_69 : vector<16xf32>
      %swap3A_71 = arith.index_cast %scan3A_26 : i32 to index
      %swap3A_72 = arith.constant 48 : index
      %swap3A_73 = tpu.vector_load %arg9[%swap3A_71, %swap3A_72] {strides = array<i32>} : memref<512x64xf32, #tpu.memory_space<vmem>>, vector<1x16xf32>,
      %swap3A_74 = vector.shape_cast %swap3A_73 : vector<1x16xf32> to vector<16xf32>
      %swap3A_75 = vector.shape_cast %exp3A_70 : vector<16xf32> to vector<1x16xf32>
      tpu.vector_store %arg9[%swap3A_71, %swap3A_72], %swap3A_75 {strides = array<i32>} : memref<512x64xf32, #tpu.memory_space<vmem>>, vector<1x16xf32>,
      %scan3A_76 = arith.constant 1 : i32
      %scan3A_77 = arith.addi %scan3A_26, %scan3A_76 : i32
      %get3A_78 = arith.index_cast %scan3A_77 : i32 to index
      %get3A_79 = arith.constant 0 : index
      %get3A_80 = tpu.vector_load %arg9[%get3A_78, %get3A_79] {strides = array<i32>} : memref<512x64xf32, #tpu.memory_space<vmem>>, vector<1x16xf32>,
      %get3A_81 = vector.shape_cast %get3A_80 : vector<1x16xf32> to vector<16xf32>
      %mul3A_82 = arith.constant 5.000000e-01 : f32
      %mul3A_83 = vector.broadcast %mul3A_82 : f32 to vector<16xf32>
      %mul3A_84 = arith.mulf %get3A_81, %mul3A_83 : vector<16xf32>
      %exp3A_85 = math.exp %mul3A_84 : vector<16xf32>
      %swap3A_86 = arith.index_cast %scan3A_77 : i32 to index
      %swap3A_87 = arith.constant 0 : index
      %swap3A_88 = tpu.vector_load %arg9[%swap3A_86, %swap3A_87] {strides = array<i32>} : memref<512x64xf32, #tpu.memory_space<vmem>>, vector<1x16xf32>,
      %swap3A_89 = vector.shape_cast %swap3A_88 : vector<1x16xf32> to vector<16xf32>
      %swap3A_90 = vector.shape_cast %exp3A_85 : vector<16xf32> to vector<1x16xf32>
      tpu.vector_store %arg9[%swap3A_86, %swap3A_87], %swap3A_90 {strides = array<i32>} : memref<512x64xf32, #tpu.memory_space<vmem>>, vector<1x16xf32>,
      %get3A_91 = arith.index_cast %scan3A_77 : i32 to index
      %get3A_92 = arith.constant 16 : index
      %get3A_93 = tpu.vector_load %arg9[%get3A_91, %get3A_92] {strides = array<i32>} : memref<512x64xf32, #tpu.memory_space<vmem>>, vector<1x16xf32>,
      %get3A_94 = vector.shape_cast %get3A_93 : vector<1x16xf32> to vector<16xf32>
      %mul3A_95 = arith.constant 5.000000e-01 : f32
      %mul3A_96 = vector.broadcast %mul3A_95 : f32 to vector<16xf32>
      %mul3A_97 = arith.mulf %get3A_94, %mul3A_96 : vector<16xf32>
      %exp3A_98 = math.exp %mul3A_97 : vector<16xf32>
      %swap3A_99 = arith.index_cast %scan3A_77 : i32 to index
      %swap3A_100 = arith.constant 16 : index
      %swap3A_101 = tpu.vector_load %arg9[%swap3A_99, %swap3A_100] {strides = array<i32>} : memref<512x64xf32, #tpu.memory_space<vmem>>, vector<1x16xf32>,
      %swap3A_102 = vector.shape_cast %swap3A_101 : vector<1x16xf32> to vector<16xf32>
      %swap3A_103 = vector.shape_cast %exp3A_98 : vector<16xf32> to vector<1x16xf32>
      tpu.vector_store %arg9[%swap3A_99, %swap3A_100], %swap3A_103 {strides = array<i32>} : memref<512x64xf32, #tpu.memory_space<vmem>>, vector<1x16xf32>,
      %get3A_104 = arith.index_cast %scan3A_77 : i32 to index
      %get3A_105 = arith.constant 32 : index
      %get3A_106 = tpu.vector_load %arg9[%get3A_104, %get3A_105] {strides = array<i32>} : memref<512x64xf32, #tpu.memory_space<vmem>>, vector<1x16xf32>,
      %get3A_107 = vector.shape_cast %get3A_106 : vector<1x16xf32> to vector<16xf32>
      %mul3A_108 = arith.constant 5.000000e-01 : f32
      %mul3A_109 = vector.broadcast %mul3A_108 : f32 to vector<16xf32>
      %mul3A_110 = arith.mulf %get3A_107, %mul3A_109 : vector<16xf32>
      %exp3A_111 = math.exp %mul3A_110 : vector<16xf32>
      %swap3A_112 = arith.index_cast %scan3A_77 : i32 to index
      %swap3A_113 = arith.constant 32 : index
      %swap3A_114 = tpu.vector_load %arg9[%swap3A_112, %swap3A_113] {strides = array<i32>} : memref<512x64xf32, #tpu.memory_space<vmem>>, vector<1x16xf32>,
      %swap3A_115 = vector.shape_cast %swap3A_114 : vector<1x16xf32> to vector<16xf32>
      %swap3A_116 = vector.shape_cast %exp3A_111 : vector<16xf32> to vector<1x16xf32>
      tpu.vector_store %arg9[%swap3A_112, %swap3A_113], %swap3A_116 {strides = array<i32>} : memref<512x64xf32, #tpu.memory_space<vmem>>, vector<1x16xf32>,
      %get3A_117 = arith.index_cast %scan3A_77 : i32 to index
      %get3A_118 = arith.constant 48 : index
      %get3A_119 = tpu.vector_load %arg9[%get3A_117, %get3A_118] {strides = array<i32>} : memref<512x64xf32, #tpu.memory_space<vmem>>, vector<1x16xf32>,
      %get3A_120 = vector.shape_cast %get3A_119 : vector<1x16xf32> to vector<16xf32>
      %mul3A_121 = arith.constant 5.000000e-01 : f32
      %mul3A_122 = vector.broadcast %mul3A_121 : f32 to vector<16xf32>
      %mul3A_123 = arith.mulf %get3A_120, %mul3A_122 : vector<16xf32>
      %exp3A_124 = math.exp %mul3A_123 : vector<16xf32>
      %swap3A_125 = arith.index_cast %scan3A_77 : i32 to index
      %swap3A_126 = arith.constant 48 : index
      %swap3A_127 = tpu.vector_load %arg9[%swap3A_125, %swap3A_126] {strides = array<i32>} : memref<512x64xf32, #tpu.memory_space<vmem>>, vector<1x16xf32>,
      %swap3A_128 = vector.shape_cast %swap3A_127 : vector<1x16xf32> to vector<16xf32>
      %swap3A_129 = vector.shape_cast %exp3A_124 : vector<16xf32> to vector<1x16xf32>
      tpu.vector_store %arg9[%swap3A_125, %swap3A_126], %swap3A_129 {strides = array<i32>} : memref<512x64xf32, #tpu.memory_space<vmem>>, vector<1x16xf32>,
      %scan3A_130 = arith.constant 2 : i32
      %scan3A_131 = arith.addi %scan3A_26, %scan3A_130 : i32
      %get3A_132 = arith.index_cast %scan3A_131 : i32 to index
      %get3A_133 = arith.constant 0 : index
      %get3A_134 = tpu.vector_load %arg9[%get3A_132, %get3A_133] {strides = array<i32>} : memref<512x64xf32, #tpu.memory_space<vmem>>, vector<1x16xf32>,
      %get3A_135 = vector.shape_cast %get3A_134 : vector<1x16xf32> to vector<16xf32>
      %mul3A_136 = arith.constant 5.000000e-01 : f32
      %mul3A_137 = vector.broadcast %mul3A_136 : f32 to vector<16xf32>
      %mul3A_138 = arith.mulf %get3A_135, %mul3A_137 : vector<16xf32>
      %exp3A_139 = math.exp %mul3A_138 : vector<16xf32>
      %swap3A_140 = arith.index_cast %scan3A_131 : i32 to index
      %swap3A_141 = arith.constant 0 : index
      %swap3A_142 = tpu.vector_load %arg9[%swap3A_140, %swap3A_141] {strides = array<i32>} : memref<512x64xf32, #tpu.memory_space<vmem>>, vector<1x16xf32>,
      %swap3A_143 = vector.shape_cast %swap3A_142 : vector<1x16xf32> to vector<16xf32>
      %swap3A_144 = vector.shape_cast %exp3A_139 : vector<16xf32> to vector<1x16xf32>
      tpu.vector_store %arg9[%swap3A_140, %swap3A_141], %swap3A_144 {strides = array<i32>} : memref<512x64xf32, #tpu.memory_space<vmem>>, vector<1x16xf32>,
      %get3A_145 = arith.index_cast %scan3A_131 : i32 to index
      %get3A_146 = arith.constant 16 : index
      %get3A_147 = tpu.vector_load %arg9[%get3A_145, %get3A_146] {strides = array<i32>} : memref<512x64xf32, #tpu.memory_space<vmem>>, vector<1x16xf32>,
      %get3A_148 = vector.shape_cast %get3A_147 : vector<1x16xf32> to vector<16xf32>
      %mul3A_149 = arith.constant 5.000000e-01 : f32
      %mul3A_150 = vector.broadcast %mul3A_149 : f32 to vector<16xf32>
      %mul3A_151 = arith.mulf %get3A_148, %mul3A_150 : vector<16xf32>
      %exp3A_152 = math.exp %mul3A_151 : vector<16xf32>
      %swap3A_153 = arith.index_cast %scan3A_131 : i32 to index
      %swap3A_154 = arith.constant 16 : index
      %swap3A_155 = tpu.vector_load %arg9[%swap3A_153, %swap3A_154] {strides = array<i32>} : memref<512x64xf32, #tpu.memory_space<vmem>>, vector<1x16xf32>,
      %swap3A_156 = vector.shape_cast %swap3A_155 : vector<1x16xf32> to vector<16xf32>
      %swap3A_157 = vector.shape_cast %exp3A_152 : vector<16xf32> to vector<1x16xf32>
      tpu.vector_store %arg9[%swap3A_153, %swap3A_154], %swap3A_157 {strides = array<i32>} : memref<512x64xf32, #tpu.memory_space<vmem>>, vector<1x16xf32>,
      %get3A_158 = arith.index_cast %scan3A_131 : i32 to index
      %get3A_159 = arith.constant 32 : index
      %get3A_160 = tpu.vector_load %arg9[%get3A_158, %get3A_159] {strides = array<i32>} : memref<512x64xf32, #tpu.memory_space<vmem>>, vector<1x16xf32>,
      %get3A_161 = vector.shape_cast %get3A_160 : vector<1x16xf32> to vector<16xf32>
      %mul3A_162 = arith.constant 5.000000e-01 : f32
      %mul3A_163 = vector.broadcast %mul3A_162 : f32 to vector<16xf32>
      %mul3A_164 = arith.mulf %get3A_161, %mul3A_163 : vector<16xf32>
      %exp3A_165 = math.exp %mul3A_164 : vector<16xf32>
      %swap3A_166 = arith.index_cast %scan3A_131 : i32 to index
      %swap3A_167 = arith.constant 32 : index
      %swap3A_168 = tpu.vector_load %arg9[%swap3A_166, %swap3A_167] {strides = array<i32>} : memref<512x64xf32, #tpu.memory_space<vmem>>, vector<1x16xf32>,
      %swap3A_169 = vector.shape_cast %swap3A_168 : vector<1x16xf32> to vector<16xf32>
      %swap3A_170 = vector.shape_cast %exp3A_165 : vector<16xf32> to vector<1x16xf32>
      tpu.vector_store %arg9[%swap3A_166, %swap3A_167], %swap3A_170 {strides = array<i32>} : memref<512x64xf32, #tpu.memory_space<vmem>>, vector<1x16xf32>,
      %get3A_171 = arith.index_cast %scan3A_131 : i32 to index
      %get3A_172 = arith.constant 48 : index
      %get3A_173 = tpu.vector_load %arg9[%get3A_171, %get3A_172] {strides = array<i32>} : memref<512x64xf32, #tpu.memory_space<vmem>>, vector<1x16xf32>,
      %get3A_174 = vector.shape_cast %get3A_173 : vector<1x16xf32> to vector<16xf32>
      %mul3A_175 = arith.constant 5.000000e-01 : f32
      %mul3A_176 = vector.broadcast %mul3A_175 : f32 to vector<16xf32>
      %mul3A_177 = arith.mulf %get3A_174, %mul3A_176 : vector<16xf32>
      %exp3A_178 = math.exp %mul3A_177 : vector<16xf32>
      %swap3A_179 = arith.index_cast %scan3A_131 : i32 to index
      %swap3A_180 = arith.constant 48 : index
      %swap3A_181 = tpu.vector_load %arg9[%swap3A_179, %swap3A_180] {strides = array<i32>} : memref<512x64xf32, #tpu.memory_space<vmem>>, vector<1x16xf32>,
      %swap3A_182 = vector.shape_cast %swap3A_181 : vector<1x16xf32> to vector<16xf32>
      %swap3A_183 = vector.shape_cast %exp3A_178 : vector<16xf32> to vector<1x16xf32>
      tpu.vector_store %arg9[%swap3A_179, %swap3A_180], %swap3A_183 {strides = array<i32>} : memref<512x64xf32, #tpu.memory_space<vmem>>, vector<1x16xf32>,
      %scan3A_184 = arith.constant 3 : i32
      %scan3A_185 = arith.addi %scan3A_26, %scan3A_184 : i32
      %get3A_186 = arith.index_cast %scan3A_185 : i32 to index
      %get3A_187 = arith.constant 0 : index
      %get3A_188 = tpu.vector_load %arg9[%get3A_186, %get3A_187] {strides = array<i32>} : memref<512x64xf32, #tpu.memory_space<vmem>>, vector<1x16xf32>,
      %get3A_189 = vector.shape_cast %get3A_188 : vector<1x16xf32> to vector<16xf32>
      %mul3A_190 = arith.constant 5.000000e-01 : f32
      %mul3A_191 = vector.broadcast %mul3A_190 : f32 to vector<16xf32>
      %mul3A_192 = arith.mulf %get3A_189, %mul3A_191 : vector<16xf32>
      %exp3A_193 = math.exp %mul3A_192 : vector<16xf32>
      %swap3A_194 = arith.index_cast %scan3A_185 : i32 to index
      %swap3A_195 = arith.constant 0 : index
      %swap3A_196 = tpu.vector_load %arg9[%swap3A_194, %swap3A_195] {strides = array<i32>} : memref<512x64xf32, #tpu.memory_space<vmem>>, vector<1x16xf32>,
      %swap3A_197 = vector.shape_cast %swap3A_196 : vector<1x16xf32> to vector<16xf32>
      %swap3A_198 = vector.shape_cast %exp3A_193 : vector<16xf32> to vector<1x16xf32>
      tpu.vector_store %arg9[%swap3A_194, %swap3A_195], %swap3A_198 {strides = array<i32>} : memref<512x64xf32, #tpu.memory_space<vmem>>, vector<1x16xf32>,
      %get3A_199 = arith.index_cast %scan3A_185 : i32 to index
      %get3A_200 = arith.constant 16 : index
      %get3A_201 = tpu.vector_load %arg9[%get3A_199, %get3A_200] {strides = array<i32>} : memref<512x64xf32, #tpu.memory_space<vmem>>, vector<1x16xf32>,
      %get3A_202 = vector.shape_cast %get3A_201 : vector<1x16xf32> to vector<16xf32>
      %mul3A_203 = arith.constant 5.000000e-01 : f32
      %mul3A_204 = vector.broadcast %mul3A_203 : f32 to vector<16xf32>
      %mul3A_205 = arith.mulf %get3A_202, %mul3A_204 : vector<16xf32>
      %exp3A_206 = math.exp %mul3A_205 : vector<16xf32>
      %swap3A_207 = arith.index_cast %scan3A_185 : i32 to index
      %swap3A_208 = arith.constant 16 : index
      %swap3A_209 = tpu.vector_load %arg9[%swap3A_207, %swap3A_208] {strides = array<i32>} : memref<512x64xf32, #tpu.memory_space<vmem>>, vector<1x16xf32>,
      %swap3A_210 = vector.shape_cast %swap3A_209 : vector<1x16xf32> to vector<16xf32>
      %swap3A_211 = vector.shape_cast %exp3A_206 : vector<16xf32> to vector<1x16xf32>
      tpu.vector_store %arg9[%swap3A_207, %swap3A_208], %swap3A_211 {strides = array<i32>} : memref<512x64xf32, #tpu.memory_space<vmem>>, vector<1x16xf32>,
      %get3A_212 = arith.index_cast %scan3A_185 : i32 to index
      %get3A_213 = arith.constant 32 : index
      %get3A_214 = tpu.vector_load %arg9[%get3A_212, %get3A_213] {strides = array<i32>} : memref<512x64xf32, #tpu.memory_space<vmem>>, vector<1x16xf32>,
      %get3A_215 = vector.shape_cast %get3A_214 : vector<1x16xf32> to vector<16xf32>
      %mul3A_216 = arith.constant 5.000000e-01 : f32
      %mul3A_217 = vector.broadcast %mul3A_216 : f32 to vector<16xf32>
      %mul3A_218 = arith.mulf %get3A_215, %mul3A_217 : vector<16xf32>
      %exp3A_219 = math.exp %mul3A_218 : vector<16xf32>
      %swap3A_220 = arith.index_cast %scan3A_185 : i32 to index
      %swap3A_221 = arith.constant 32 : index
      %swap3A_222 = tpu.vector_load %arg9[%swap3A_220, %swap3A_221] {strides = array<i32>} : memref<512x64xf32, #tpu.memory_space<vmem>>, vector<1x16xf32>,
      %swap3A_223 = vector.shape_cast %swap3A_222 : vector<1x16xf32> to vector<16xf32>
      %swap3A_224 = vector.shape_cast %exp3A_219 : vector<16xf32> to vector<1x16xf32>
      tpu.vector_store %arg9[%swap3A_220, %swap3A_221], %swap3A_224 {strides = array<i32>} : memref<512x64xf32, #tpu.memory_space<vmem>>, vector<1x16xf32>,
      %get3A_225 = arith.index_cast %scan3A_185 : i32 to index
      %get3A_226 = arith.constant 48 : index
      %get3A_227 = tpu.vector_load %arg9[%get3A_225, %get3A_226] {strides = array<i32>} : memref<512x64xf32, #tpu.memory_space<vmem>>, vector<1x16xf32>,
      %get3A_228 = vector.shape_cast %get3A_227 : vector<1x16xf32> to vector<16xf32>
      %mul3A_229 = arith.constant 5.000000e-01 : f32
      %mul3A_230 = vector.broadcast %mul3A_229 : f32 to vector<16xf32>
      %mul3A_231 = arith.mulf %get3A_228, %mul3A_230 : vector<16xf32>
      %exp3A_232 = math.exp %mul3A_231 : vector<16xf32>
      %swap3A_233 = arith.index_cast %scan3A_185 : i32 to index
      %swap3A_234 = arith.constant 48 : index
      %swap3A_235 = tpu.vector_load %arg9[%swap3A_233, %swap3A_234] {strides = array<i32>} : memref<512x64xf32, #tpu.memory_space<vmem>>, vector<1x16xf32>,
      %swap3A_236 = vector.shape_cast %swap3A_235 : vector<1x16xf32> to vector<16xf32>
      %swap3A_237 = vector.shape_cast %exp3A_232 : vector<16xf32> to vector<1x16xf32>
      tpu.vector_store %arg9[%swap3A_233, %swap3A_234], %swap3A_237 {strides = array<i32>} : memref<512x64xf32, #tpu.memory_space<vmem>>, vector<1x16xf32>,
    }
    %scan3A_20 = arith.constant 512 : i32
    "tpu.region"() ({
      %run_scoped3A = tpu.sem_alloc : memref<!tpu.dma_semaphore, #tpu.memory_space<semaphore_mem>>
      %dma_start3A = arith.constant 0 : i32
      %dma_start3A_26 = tpu.memref_slice %arg7[%mul3A_2, %dma_start3A] : memref<16384x64xf32, #tpu.memory_space<hbm>> -> memref<512x64xf32, #tpu.memory_space<hbm>>
      %dma_start3A_27 = arith.constant 0 : i32
      %dma_start3A_28 = tpu.memref_slice %arg7[%mul3A_2, %dma_start3A_27] : memref<16384x64xf32, #tpu.memory_space<hbm>> -> memref<512x64xf32, #tpu.memory_space<hbm>>
      tpu.enqueue_dma source(%arg9 : memref<512x64xf32, #tpu.memory_space<vmem>>) target(%dma_start3A_28 : memref<512x64xf32, #tpu.memory_space<hbm>>) target_semaphore(%run_scoped3A : memref<!tpu.dma_semaphore, #tpu.memory_space<semaphore_mem>>)
      %dma_wait3A_29 = arith.constant 0 : i32
      %dma_wait3A_30 = tpu.memref_slice %arg7[%mul3A_2, %dma_wait3A_29] : memref<16384x64xf32, #tpu.memory_space<hbm>> -> memref<512x64xf32, #tpu.memory_space<hbm>>
      %dma_wait3A_31 = arith.constant 0 : i32
      %dma_wait3A_32 = tpu.memref_slice %arg7[%mul3A_2, %dma_wait3A_31] : memref<16384x64xf32, #tpu.memory_space<hbm>> -> memref<512x64xf32, #tpu.memory_space<hbm>>
      tpu.wait_dma2 semaphore(%run_scoped3A : memref<!tpu.dma_semaphore, #tpu.memory_space<semaphore_mem>>) src(%arg9 : memref<512x64xf32, #tpu.memory_space<vmem>>) dst(%dma_wait3A_32 : memref<512x64xf32, #tpu.memory_space<hbm>>)
      tpu.yield
    }) : () -> ()
    %dma_wait3A_21 = arith.constant 0 : i32
    %dma_wait3A_22 = tpu.memref_slice %arg5[%mul3A_2, %dma_wait3A_21] : memref<16384x64xf32, #tpu.memory_space<hbm>> -> memref<512x64xf32, #tpu.memory_space<hbm>>
    %dma_wait3A_23 = arith.constant 0 : i32
    %dma_wait3A_24 = arith.constant 0 : i32
    %dma_wait3A_25 = tpu.memref_slice %arg3[%dma_wait3A_23, %dma_wait3A_24] : memref<1000000x64xf32, #tpu.memory_space<hbm>> -> memref<512x64xf32, #tpu.memory_space<hbm>>
    tpu.wait_dma2 semaphore(%arg10 : memref<!tpu.dma_semaphore, #tpu.memory_space<semaphore_mem>>) src(%dma_wait3A_25 : memref<512x64xf32, #tpu.memory_space<hbm>>) dst(%dma_wait3A_22 : memref<512x64xf32, #tpu.memory_space<hbm>>)
    return
  }
}

</mosaic_0001>

<sc_bundles>
// kernel: _vadlogvar_sc.3.cloned.1.call-start
scs
__scs_entry_jumppad:
0x0: {  	(pc) =	sbr.rel $0x88, $3  }
0x1: {  	(tag) =	ssettag $0x0;
	lr =	simm.s32 $0x1  }
0x2: {  	[smem:$0x3F9E] =	sst lr;
	_ =	strace $0xD0000000  }
0x3: {  	_ = 	snop  }
0x4: {  	_ = 	snop  }
0x5: {  	_ = 	snop  }
0x6: {  	_ = 	snop  }
0x7: {  	_ = 	snop  }
__scs_overlays_trampoline_lowered:
0x8: {  	[smem:$0x3FAD] =	sst s0  }
0x9: {  	[smem:$0x3FAE] =	sst s1  }
0xa: {  	[smem:$0x3FAF] =	sst s2  }
0xb: {  	[smem:$0x3FB0] =	sst s3  }
0xc: {  	[smem:$0x3FB1] =	sst s4  }
0xd: {  	[smem:$0x3FB2] =	sst s5  }
0xe: {  	[smem:$0x3FB3] =	sst s6  }
0xf: {  	[smem:$0x3FB4] =	sst s7  }
0x10: {  	[smem:$0x3FB5] =	sst s8  }
0x11: {  	[smem:$0x3FB6] =	sst s9;
	s0 =	simm.s32 @!p0 $0x0  }
0x12: {  	s1 =	sld [smem:$0x3F9C];
	s0 =	simm.s32 @p0 $0x1  }
0x13: {  	[smem:$0x3FB7] =	sst s0;
	s0 =	simm.s32 @!p1 $0x0  }
0x14: {  	s2 =	sld [smem:$0x3F9B];
	s0 =	simm.s32 @p1 $0x1  }
0x15: {  	[smem:$0x3FB8] =	sst s0;
	s0 =	simm.s32 @!p2 $0x0  }
0x16: {  	s3 =	sld [smem:$0x3FDB];
	s0 =	simm.s32 @p2 $0x1  }
0x17: {  	s4 =	simm.s32 $0x1BF5;
	[smem:$0x3FBA] =	sst s0  }
0x18: {  	s0 =	sld [smem:$0x3F9D];
	_ =	swait.ge [sflag:s4], $0x0  }
0x19: {  	s7 =	sld [smem:$0x3F9E]  }
0x1a: {  	s8 =	sadd.s32 $0xFFFFE003, lr  }
0x1b: {  	s9 =	sadd.s32 $0xFFFFFEF7, lr;
	s5 =	simm.s32 $0xFFFFFFFF;
	p2 =	slt.u32 s8, $0xFFFFF086  }
0x1c: {  	p1 =	slt.u32 s9, $0xF7A;
	s5 =	simm.s32 @!p2 $0x0  }
0x1d: {  	s5 =	simm.s32 @p1 $0x1;
	p0 =	seq.s32 s7, s2  }
0x1e: {  	s7 =	smul.u32 @!p0 $0xF7A, s2;
	p2 =	seq.s32 @!p0 s5, $0x0  }
0x1f: {  	s9 =	smul.u32 $0xF7A, s1;
	s8 =	simm.s32 @!p0 $0x1BF5;
	p2 =	por !p2, p0  }
0x20: {  	[sflag:s8] =	ssyncset.s32 @!p0 $0xFFFFF086;
	s6 =	sadd.s32 @!p0 s3, s7;
	s7 =	simm.s32 @!p0 $0x108  }
0x21: {  	s3 =	sadd.s32 s3, s9;
	s6 =	sadd.s32 @!p0 $0x88, s6;
	s7 =	simm.s32 @p2 $0x1082  }
0x22: {  	[simem:s7], [sflag:s8] =	dma.local @!p0 [hbm:s6], $0xF7A  }
0x23: {  	s9 =	sor.u32 $0xD0000000, s2;
	s6 =	simm.s32 $0x108;
	_ =	swait.ge @!p0 [sflag:s8], $0x0  }
0x24: {  	s3 =	sadd.s32 $0x88, s3;
	s6 =	simm.s32 @!p1 $0x1082;
	[sflag:s4] =	ssyncset.s32 $0xFFFFF086  }
0x25: {  	[simem:s6], [sflag:s4] =	dma.local [hbm:s3], $0xF7A  }
0x26: {  	[smem:$0x3F9E] =	sst s1;
	(tag) =	ssettag s2;
	_ =	strace s9  }
0x27: {  	s1 =	sld [smem:$0x3FAE]  }
0x28: {  	s2 =	sld [smem:$0x3FAF]  }
0x29: {  	s4 =	sld [smem:$0x3FB1]  }
0x2a: {  	p0 =	seq.s32 s5, $0x0;
	s5 =	sld [smem:$0x3FB2]  }
0x2b: {  	s6 =	sld [smem:$0x3FB3]  }
0x2c: {  	s7 =	sld [smem:$0x3FB4]  }
0x2d: {  	s3 =	simm.s32 $0x108;
	s8 =	sld [smem:$0x3FB5]  }
0x2e: {  	s3 =	simm.s32 @!p0 $0x1082;
	s9 =	sld [smem:$0x3FB6]  }
0x2f: {  	lr =	sadd.s32 s0, s3;
	s0 =	sld [smem:$0x3FAD]  }
0x30: {  	s3 =	sld [smem:$0x3FB0]  }
0x31: {  	[smem:$0x3FB9] =	sst s10  }
0x32: {  	s10 =	sld [smem:$0x3FB7];
	_ =	sdelay $0x3  }
0x33: {  	p0 =	seq.s32 s10, $0x1;
	s10 =	sld [smem:$0x3FB9];
	_ =	sdelay $0x3  }
0x34: {  	[smem:$0x3FB9] =	sst s10  }
0x35: {  	s10 =	sld [smem:$0x3FB8];
	_ =	sdelay $0x3  }
0x36: {  	p1 =	seq.s32 s10, $0x1;
	s10 =	sld [smem:$0x3FB9];
	_ =	sdelay $0x3  }
0x37: {  	[smem:$0x3FB9] =	sst s10  }
0x38: {  	s10 =	sld [smem:$0x3FBA]  }
0x39: {  	_ = 	snop;
	(pc) =	sbr.ind lr, $3  }
0x3a: {  	_ = 	snop  }
0x3b: {  	_ = 	snop  }
0x3c: {  	p2 =	seq.s32 s10, $0x1;
	s10 =	sld [smem:$0x3FB9]  }
0x3d: {  	_ =	shalt  }
0x3e: {  	_ =	shalt  }
0x3f: {  	_ =	shalt  }
0x40: {  	_ =	shalt  }
0x41: {  	_ =	shalt  }
0x42: {  	_ =	shalt  }
0x43: {  	_ =	shalt  }
0x44: {  	_ =	shalt  }
0x45: {  	_ =	shalt  }
0x46: {  	_ =	shalt  }
0x47: {  	_ =	shalt  }
0x48: {  	_ =	shalt  }
0x49: {  	_ =	shalt  }
0x4a: {  	_ =	shalt  }
0x4b: {  	_ =	shalt  }
0x4c: {  	_ =	shalt  }
0x4d: {  	_ =	shalt  }
0x4e: {  	_ =	shalt  }
0x4f: {  	_ =	shalt  }
0x50: {  	_ =	shalt  }
0x51: {  	_ =	shalt  }
0x52: {  	_ =	shalt  }
0x53: {  	_ =	shalt  }
0x54: {  	_ =	shalt  }
0x55: {  	_ =	shalt  }
0x56: {  	_ =	shalt  }
0x57: {  	_ =	shalt  }
0x58: {  	_ =	shalt  }
0x59: {  	_ =	shalt  }
0x5a: {  	_ =	shalt  }
0x5b: {  	_ =	shalt  }
0x5c: {  	_ =	shalt  }
0x5d: {  	_ =	shalt  }
0x5e: {  	_ =	shalt  }
0x5f: {  	_ =	shalt  }
0x60: {  	_ =	shalt  }
0x61: {  	_ =	shalt  }
0x62: {  	_ =	shalt  }
0x63: {  	_ =	shalt  }
0x64: {  	_ =	shalt  }
0x65: {  	_ =	shalt  }
0x66: {  	_ =	shalt  }
0x67: {  	_ =	shalt  }
0x68: {  	_ =	shalt  }
0x69: {  	_ =	shalt  }
0x6a: {  	_ =	shalt  }
0x6b: {  	_ =	shalt  }
0x6c: {  	_ =	shalt  }
0x6d: {  	_ =	shalt  }
0x6e: {  	_ =	shalt  }
0x6f: {  	_ =	shalt  }
0x70: {  	_ =	shalt  }
0x71: {  	_ =	shalt  }
0x72: {  	_ =	shalt  }
0x73: {  	_ =	shalt  }
0x74: {  	_ =	shalt  }
0x75: {  	_ =	shalt  }
0x76: {  	_ =	shalt  }
0x77: {  	_ =	shalt  }
0x78: {  	_ =	shalt  }
0x79: {  	_ =	shalt  }
0x7a: {  	_ =	shalt  }
0x7b: {  	_ =	shalt  }
0x7c: {  	_ =	shalt  }
0x7d: {  	_ =	shalt  }
0x7e: {  	_ =	shalt  }
0x7f: {  	_ =	shalt  }
0x80: {  	_ =	shalt  }
0x81: {  	_ =	shalt  }
0x82: {  	_ =	shalt  }
0x83: {  	_ =	shalt  }
0x84: {  	_ =	shalt  }
0x85: {  	_ =	shalt  }
0x86: {  	_ =	shalt  }
0x87: {  	_ =	shalt  }
.Lfunc_end0:
.L_simem_size_0:
called_computation_lowered:
.L_overlay_start_0:
0x88: {  	s2 =	sld [smem:$0x3FD9]  }
0x89: {  	s3 =	sld [smem:$0x3FFE];
	_ =	sdelay $0x1  }
0x8a: {  	s1 =	srdreg.scid  }
0x8b: {  	s0 =	sand.u32 $0x1, s1  }
0x8c: {  	s14 =	sshll.u32 s0, $0xA;
	s2 =	sadd.s32 s3, s2  }
0x8d: {  	s2 =	sadd.s32 s2, s14  }
0x8e: {  	[smem:$0x3FC5] =	sst s2  }
0x8f: {  	_ = 	snop  }
0x90: {  	s2 =	sld [smem:$0x3FD0];
	_ =	sdelay $0x2  }
0x91: {  	s15 =	simm.s32 $0xA;
	s4 =	simm.s32 $0x10  }
0x92: {  	[smem:s4], [sflag:s15] =	dma.local [hbm:s2], $0x1  }
0x93: {  	_ =	swait.eq [sflag:s15], $0x1  }
0x94: {  	[sflag:s15] =	ssyncset.done $0x0  }
0x95: {  	[sflag:s15] =	ssyncadd.s32 $0xFFFFFFFF  }
0x96: {  	s16 =	sld [smem:$0x12];
	(tm) =	ssettm $0x1  }
0x97: {  	s17 =	sld [smem:$0x3FFB];
	_ =	sdelay $0x3  }
0x98: {  	_ =	strace s17  }
0x99: {  	s3 =	sld [smem:$0x3FFC];
	_ =	sdelay $0x3  }
0x9a: {  	_ =	strace s3  }
0x9b: {  	s3 =	sld [smem:$0x3FFD];
	_ =	sdelay $0x3  }
0x9c: {  	_ =	strace s3  }
0x9d: {  	_ =	strace $0x8FFFFFFF  }
0x9e: {  	s18 =	sld [smem:$0x3FDB];
	_ =	sdelay $0x1  }
0x9f: {  	s19 =	simm.s32 $_scs_section_size  }
0xa0: {  	s5 =	simm.s32 $_size__tile_overlayer_lowered;
	s6 =	simm.s32 $_tile_overlayer_lowered  }
0xa1: {  	s22 =	simm.s32 $0x1BFF;
	s21 =	sshll.u32 s6, $0x1;
	s3 =	sadd.s32 s19, s18  }
0xa2: {  	s7 =	simm.s32 $0x0;
	s20 =	sshll.u32 s5, $0x1;
	s5 =	sadd.s32 s21, s3  }
0xa3: {  	[timem:s7], [sflag:s22] =	dma.local [hbm:s5], s20  }
0xa4: {  	_ =	swait.ge [sflag:s22], s20  }
0xa5: {  	s4 =	ssub.s32 $0x0, s20;
	[sflag:s22] =	ssyncset.done $0x0  }
0xa6: {  	[sflag:s22] =	ssyncadd.s32 s4;
	_ =	sdelay $0x1  }
0xa7: {  	s23 =	simm.s32 $0x1B8B  }
0xa8: {  	_ =	swait.ge [sflag:s23], $0x1  }
0xa9: {  	[sflag:s23] =	ssyncset.done $0x0  }
0xaa: {  	s25 =	simm.s32 $0x1B8E;
	s24 =	sld [smem:$0x3FFE];
	[sflag:s23] =	ssyncadd.s32 $0xFFFFFFFF  }
0xab: {  	s26 =	simm.s32 $execute0_lowered;
	[smem:$0x3FD2] =	sst s25  }
0xac: {  	s5 =	sshll.u32 s26, $0x1;
	_ =	strace $0x80000046;
	[dreg:$0x1] =	wrdreg $0xFFFFFFFF  }
0xad: {  	s28 =	simm.s32 $_size_execute0_lowered;
	s3 =	sadd.s32 s3, s5;
	[dreg:$0x0] =	wrdreg $0x0  }
0xae: {  	s5 =	sshll.u32 s28, $0x1;
	[dreg:$0x2] =	wrdreg s3  }
0xaf: {  	[dreg:$0x3] =	wrdreg s5  }
0xb0: {  	[dreg:$0x4] =	wrdreg $0xC0  }
0xb1: {  	_ =	task [dreg:s7], $0x5FFFF  }
0xb2: {  	[dreg:$0x1] =	wrdreg $0xFFFFFFFF  }
0xb3: {  	[dreg:$0x0] =	wrdreg $0x60  }
0xb4: {  	[dreg:$0x2] =	wrdreg s16  }
0xb5: {  	[dreg:$0x3] =	wrdreg s24  }
0xb6: {  	[dreg:$0x4] =	wrdreg $0x9  }
0xb7: {  	_ =	task.clear_ibuf [dreg:s7], $0x5FFFF;
	_ =	strace $0x90000046  }
0xb8: {  	s29 =	simm.s32 $0x9;
	_ =	strace $0x80000048  }
0xb9: {  	_ =	swait.ge [sflag:s29], $0x1  }
0xba: {  	[sflag:s29] =	ssyncadd.s32 $0xFFFFFFFF  }
0xbb: {  	_ =	strace $0x90000048  }
0xbc: {  	_ =	sfence  }
0xbd: {  	s30 =	sld [smem:$0x0];
	_ =	sdelay $0x2  }
0xbe: {  	s31 =	sshll.u32 s1, $0xD;
	s1 =	sshrl.u32 s1, $0x2  }
0xbf: {  	s3 =	sand.u32 $0x4000, s31;
	s1 =	sadd.s32 s1, s30  }
0xc0: {  	s0 =	sor.u32 s3, s0;
	s1 =	sshll.u32 s1, $0x11  }
0xc1: {  	s0 =	sor.u32 s1, s0  }
0xc2: {  	s0 =	sadd.s32 $0x8F2B, s0  }
0xc3: {  	[sflag:s0] =	ssyncadd.remote.s32 $0x1  }
0xc4: {  	_ =	sfence.sel $0xFFFF  }
0xc5: {  	[dreg:$0x0] =	wrdreg $0xFFFFFFFF;
	(pc) =	sbr.abs _section_cstart, $3  }
0xc6: {  	[dreg:$0x1] =	wrdreg $0xFFFFFFFF  }
0xc7: {  	_ =	task.clear_ibuf [dreg:s7], $0x2FFFF;
	_ =	strace $0x9FFFFFFF  }
0xc8: {  	(tm) =	ssettm $0x7FFFFFFF  }
0xc9: {  	_ =	shalt  }
tec
execute0_lowered:
.L_overlay_start_1:
0x0: {  	(tag) =	ssettag $0x1  }
0x1: {  	s0 =	rddreg [dreg:$0x0]  }
0x2: {  	s1 =	rddreg [dreg:$0x1];
	s20 =	simm.s32 $0x0;
	s9 =	stileid.u32  }
0x3: {  	s2 =	srdreg.scid;
	[smem:$0x7FF] =	sst s20  }
0x4: {  	s3 =	sadd.s32 $0x1200, s1;
	s2 =	sand.u32 $0x1, s2;
	s5 =	sshll.u32 s9, $0x1  }
0x5: {  	s4 =	sadd.s32 $0xF43600, s1;
	s6 =	sshll.u32 s9, $0xE;
	s31 =	sshll.u32 s9, $0x6  }
0x6: {  	_ =	strace $0x80000047;
	s5 =	sor.u32 s2, s5;
	s6 =	sadd.s32 s6, s1  }
0x7: {  	s8 =	ssub.s32 $0x2, s2;
	s7 =	sshll.u32 s5, $0xD;
	s5 =	sshll.u32 s5, $0x9  }
0x8: {  	s28 =	sshll.u32 s2, $0xD;
	s1 =	sadd.s32 s7, s1;
	s0 =	sadd.s32 s0, s5  }
0x9: {  	s26 =	sshrl.u32 s8, $0x1;
	[smem:$0x7F9] =	sst s0;
	s29 =	sadd.s32 $0x1EC5A00, s1  }
0xa: {  	s7 =	ssub.s32 s8, s26;
	s1 =	sadd.s32 $0x1F05A00, s1;
	[smem:$0x7FA] =	sst s29  }
0xb: {  	s0 =	sadd.s32 s28, s6;
	s30 =	smax.u32 s7, $0x1;
	[smem:$0x7FB] =	sst s1  }
0xc: {  	s2 =	simm.s32 $0x3;
	[smem:$0x7FC] =	sst s30;
	s0 =	sadd.s32 $0x1E85AF0, s0  }
0xd: {  	s11 =	sor.u32 $0x1C01, s31;
	s5 =	simm.s32 $0x0;
	[smem:$0x7FD] =	sst s0  }
.LBB2_1:
0xe: {  	s0 =	sld [smem:$0x7F9];
	_ =	sdelay $0x1  }
0xf: {  	[smem:$0x7F8] =	sst s5  }
0x10: {  	[tilespmem:s20], [sflag:$0x3] =	stream.linear.gather [hbm4b:s0+s20], $0x1000, $0x38;
	[tilespmem:$0x11000] =	vst v63  }
0x11: {  	_ =	swait.ge [sflag:s2], $0x1000  }
0x12: {  	[sflag:s2] =	ssyncset.done $0x0  }
0x13: {  	[sflag:s2] =	ssyncadd.s32 $0xFFFFF000  }
0x14: {  	v0 =	vld [tilespmem:s20+$0x0];
	_ =	sdelay $0x4  }
0x15: {  	v0 =	vshll.u32 v0, $0x4  }
0x16: {  	(v2sf) =	vpush v0, $0xF  }
0x17: {  	(v2sf) =	vpush v0, $0xE  }
0x18: {  	(v2sf) =	vpush v0, $0xD  }
0x19: {  	(v2sf) =	vpush v0, $0xC  }
0x1a: {  	(v2sf) =	vpush v0, $0xB  }
0x1b: {  	(v2sf) =	vpush v0, $0x2  }
0x1c: {  	(v2sf) =	vpush v0, $0x6  }
0x1d: {  	(v2sf) =	vpush v0, $0x3  }
0x1e: {  	(v2sf) =	vpush v0, $0x8  }
0x1f: {  	(v2sf) =	vpush v0, $0x7  }
0x20: {  	(v2sf) =	vpush v0, $0x5  }
0x21: {  	(v2sf) =	vpush v0, $0x4  }
0x22: {  	(v2sf) =	vpush v0, $0x1  }
0x23: {  	(v2sf) =	vpush v0, $0xA  }
0x24: {  	(v2sf) =	vpush v0, $0x0  }
0x25: {  	s23 =	spop (v2sf)  }
0x26: {  	s1 =	spop (v2sf)  }
0x27: {  	s26 =	spop (v2sf)  }
0x28: {  	s9 =	sld [smem:$0x7FD];
	s5 =	spop (v2sf)  }
0x29: {  	s16 =	simm.s32 $0x2000;
	s6 =	spop (v2sf)  }
0x2a: {  	s19 =	simm.s32 $0x1400;
	s24 =	simm.s32 $0x0;
	s7 =	spop (v2sf)  }
0x2b: {  	[dreg:$0x7] =	wrdreg s19;
	s17 =	sadd.s32 $0xFFFFFFE0, s9;
	s25 =	spop (v2sf)  }
0x2c: {  	s20 =	sadd.s32 $0xFFFFFFF0, s9;
	[dreg:$0x4] =	wrdreg s17;
	s8 =	spop (v2sf)  }
0x2d: {  	s18 =	sadd.s32 $0xFFFFFFC0, s9;
	[dreg:$0x3] =	wrdreg s20;
	s10 =	spop (v2sf)  }
0x2e: {  	s21 =	sadd.s32 $0xFFFFFFD0, s9;
	[dreg:$0x6] =	wrdreg s18;
	s12 =	spop (v2sf)  }
0x2f: {  	s19 =	sadd.s32 $0xFFFFFF20, s9;
	[dreg:$0x5] =	wrdreg s21;
	s13 =	spop (v2sf)  }
0x30: {  	s20 =	sadd.s32 $0xFFFFFF30, s9;
	s21 =	sadd.s32 $0xFFFFFF10, s9;
	s14 =	spop (v2sf)  }
0x31: {  	s0 =	sand.u32 $0x1FFFFFF0, s23;
	s23 =	simm.s32 $0x1000;
	s15 =	spop (v2sf)  }
0x32: {  	s1 =	sand.u32 $0x1FFFFFF0, s1;
	s2 =	sand.u32 $0x1FFFFFF0, s26;
	s17 =	spop (v2sf)  }
0x33: {  	s31 =	sand.u32 $0x1FFFFFF0, s10;
	s10 =	sand.u32 $0x1FFFFFF0, s12;
	s22 =	spop (v2sf)  }
0x34: {  	s6 =	sand.u32 $0x1FFFFFF0, s6;
	s29 =	sadd.s32 s3, s10;
	s18 =	sand.u32 $0x1FFFFFF0, s22  }
0x35: {  	(v2sf) =	vpush v0, $0x9;
	s15 =	sand.u32 $0x1FFFFFF0, s15;
	s22 =	sadd.s32 s3, s18;
	s18 =	sadd.s32 s4, s18  }
0x36: {  	[hbm:s21], [sflag:s11] =	dma.local [hbm:s22], $0x10  }
0x37: {  	[tilespmem:s23], [sflag:$0x2] =	stream.linear.gather [hbm4b:s18+s24], $0x80, $0x38;
	[tilespmem:$0x11000] =	vst v63  }
0x38: {  	s12 =	sand.u32 $0x1FFFFFF0, s14;
	s26 =	sadd.s32 s3, s15;
	s23 =	sadd.s32 s4, s0  }
0x39: {  	s21 =	simm.s32 $0x1080;
	s0 =	sadd.s32 s3, s0;
	[dreg:$0x8] =	wrdreg s23  }
0x3a: {  	[hbm:s19], [sflag:s11] =	dma.local [hbm:s26], $0x10  }
0x3b: {  	s22 =	simm.s32 $0x1100;
	s18 =	sadd.s32 s4, s2;
	[dreg:$0x9] =	wrdreg s0  }
0x3c: {  	s2 =	sadd.s32 s3, s2;
	s23 =	sadd.s32 s4, s15;
	[dreg:$0xb] =	wrdreg s18  }
0x3d: {  	s15 =	sadd.s32 s3, s6;
	s0 =	sand.u32 $0x1FFFFFF0, s5;
	[dreg:$0xc] =	wrdreg s2  }
0x3e: {  	s2 =	sand.u32 $0x1FFFFFF0, s7;
	s26 =	sadd.s32 s4, s6;
	s7 =	sadd.s32 s4, s1  }
0x3f: {  	[tilespmem:s21], [sflag:$0x2] =	stream.linear.gather [hbm4b:s23+s24], $0x80, $0x38;
	[tilespmem:$0x11000] =	vst v63  }
0x40: {  	s18 =	sand.u32 $0x1FFFFFF0, s25;
	s19 =	sadd.s32 s4, s0;
	[dreg:$0x14] =	wrdreg s26  }
0x41: {  	s25 =	sadd.s32 $0xFFFFFFA0, s9;
	s0 =	sadd.s32 s3, s0;
	[dreg:$0x10] =	wrdreg s19  }
0x42: {  	s6 =	sadd.s32 $0xFFFFFF80, s9;
	s5 =	sadd.s32 s3, s2;
	[dreg:$0x13] =	wrdreg s0  }
0x43: {  	[hbm:s20], [sflag:s11] =	dma.local [hbm:s5], $0x10  }
0x44: {  	s21 =	sadd.s32 s4, s2;
	s14 =	sadd.s32 s4, s18;
	[dreg:$0x12] =	wrdreg s7  }
0x45: {  	s23 =	sadd.s32 $0xFFFFFFB0, s9;
	s24 =	sadd.s32 $0xFFFFFF90, s9;
	[dreg:$0x1b] =	wrdreg s15  }
0x46: {  	s26 =	simm.s32 $0x1480;
	s2 =	sadd.s32 $0xFFFFFF70, s9;
	[dreg:$0xa] =	wrdreg s23  }
0x47: {  	s19 =	sand.u32 $0x1FFFFFF0, s17;
	s17 =	simm.s32 $0x1300;
	[dreg:$0x11] =	wrdreg s24  }
0x48: {  	s0 =	simm.s32 $0x1180;
	s20 =	simm.s32 $0x0;
	[dreg:$0xf] =	wrdreg s25  }
0x49: {  	s5 =	sand.u32 $0x1FFFFFF0, s8;
	s8 =	sadd.s32 s3, s1;
	[dreg:$0xd] =	wrdreg s26  }
0x4a: {  	s1 =	sadd.s32 s4, s10;
	s28 =	sadd.s32 s4, s19;
	[dreg:$0x19] =	wrdreg s2  }
0x4b: {  	s30 =	sadd.s32 s3, s19;
	s10 =	sadd.s32 s3, s18;
	[dreg:$0x18] =	wrdreg s6  }
0x4c: {  	s7 =	simm.s32 $0x1380;
	s23 =	sadd.s32 $0xFFFFFF40, s9;
	[dreg:$0x1a] =	wrdreg s17  }
0x4d: {  	s15 =	sadd.s32 $0xFFFFFF60, s9;
	s25 =	simm.s32 $0x80;
	[dreg:$0x15] =	wrdreg s8  }
0x4e: {  	[tilespmem:s22], [sflag:$0x2] =	stream.linear.gather [hbm4b:s21+s20], $0x80, $0x38;
	[tilespmem:$0x11000] =	vst v63  }
0x4f: {  	s26 =	sadd.s32 $0x100, s9;
	s18 =	simm.s32 $0x1280;
	[dreg:$0x17] =	wrdreg s7  }
0x50: {  	s24 =	simm.s32 $0x1200;
	s19 =	simm.s32 $0x1780;
	[dreg:$0x1c] =	wrdreg s15  }
0x51: {  	s6 =	simm.s32 $0x1580;
	s8 =	sand.u32 $0x1FFFFFF0, s13;
	[dreg:$0x1e] =	wrdreg s18  }
0x52: {  	s21 =	simm.s32 $0x1680;
	s13 =	sadd.s32 $0xFFFFFF50, s9;
	[dreg:$0xe] =	wrdreg s19  }
0x53: {  	s22 =	simm.s32 $0x1700;
	s7 =	simm.s32 $0x1500;
	[dreg:$0x1d] =	wrdreg s13  }
0x54: {  	[dreg:$0x16] =	wrdreg s22;
	s13 =	simm.s32 $0x1600;
	s22 =	smov.u32 s9  }
.LBB2_2:
0x55: {  	s15 =	sadd.s32 s3, s5;
	s2 =	spop (v2sf);
	s5 =	sadd.s32 s4, s5  }
0x56: {  	[hbm:s23], [sflag:s11] =	dma.local [hbm:s15], $0x10  }
0x57: {  	[tilespmem:s0], [sflag:$0x2] =	stream.linear.gather [hbm4b:s5+s20], $0x80, $0x38;
	[tilespmem:$0x11000] =	vst v63  }
0x58: {  	s19 =	sadd.s32 s3, s12;
	s12 =	sadd.s32 s4, s12;
	s5 =	rddreg [dreg:$0x1d]  }
0x59: {  	[hbm:s5], [sflag:s11] =	dma.local [hbm:s19], $0x10  }
0x5a: {  	[tilespmem:s24], [sflag:$0x2] =	stream.linear.gather [hbm4b:s12+s20], $0x80, $0x38;
	[tilespmem:$0x11000] =	vst v63  }
0x5b: {  	s9 =	sadd.s32 s4, s8;
	s8 =	sadd.s32 s3, s8;
	s0 =	rddreg [dreg:$0x1c]  }
0x5c: {  	[hbm:s0], [sflag:s11] =	dma.local [hbm:s8], $0x10  }
0x5d: {  	s0 =	rddreg [dreg:$0x1e]  }
0x5e: {  	s12 =	rddreg [dreg:$0x19]  }
0x5f: {  	[tilespmem:s0], [sflag:$0x2] =	stream.linear.gather [hbm4b:s9+s20], $0x80, $0x38;
	[tilespmem:$0x11000] =	vst v63  }
0x60: {  	[hbm:s12], [sflag:s11] =	dma.local [hbm:s10], $0x10  }
0x61: {  	s0 =	rddreg [dreg:$0x1a]  }
0x62: {  	[tilespmem:s0], [sflag:$0x2] =	stream.linear.gather [hbm4b:s14+s20], $0x80, $0x38;
	[tilespmem:$0x11000] =	vst v63  }
0x63: {  	s14 =	rddreg [dreg:$0x18]  }
0x64: {  	[hbm:s14], [sflag:s11] =	dma.local [hbm:s29], $0x10  }
0x65: {  	s0 =	rddreg [dreg:$0x17]  }
0x66: {  	s17 =	sadd.s32 s3, s31;
	s15 =	rddreg [dreg:$0x11]  }
0x67: {  	[tilespmem:s0], [sflag:$0x2] =	stream.linear.gather [hbm4b:s1+s20], $0x80, $0x38;
	[tilespmem:$0x11000] =	vst v63  }
0x68: {  	[hbm:s15], [sflag:s11] =	dma.local [hbm:s17], $0x10  }
0x69: {  	s31 =	sadd.s32 s4, s31;
	s2 =	sand.u32 $0x1FFFFFF0, s2;
	s0 =	rddreg [dreg:$0x7]  }
0x6a: {  	s18 =	sadd.s32 s4, s2;
	s2 =	sadd.s32 s3, s2;
	s17 =	rddreg [dreg:$0xf]  }
0x6b: {  	[tilespmem:s0], [sflag:$0x2] =	stream.linear.gather [hbm4b:s31+s20], $0x80, $0x38;
	[tilespmem:$0x11000] =	vst v63  }
0x6c: {  	[hbm:s17], [sflag:s11] =	dma.local [hbm:s2], $0x10  }
0x6d: {  	s0 =	rddreg [dreg:$0xd]  }
0x6e: {  	s19 =	rddreg [dreg:$0xa]  }
0x6f: {  	[tilespmem:s0], [sflag:$0x2] =	stream.linear.gather [hbm4b:s18+s20], $0x80, $0x38;
	[tilespmem:$0x11000] =	vst v63  }
0x70: {  	[hbm:s19], [sflag:s11] =	dma.local [hbm:s30], $0x10  }
0x71: {  	[tilespmem:s7], [sflag:$0x2] =	stream.linear.gather [hbm4b:s28+s20], $0x80, $0x38;
	[tilespmem:$0x11000] =	vst v63  }
0x72: {  	s0 =	rddreg [dreg:$0x6]  }
0x73: {  	s23 =	rddreg [dreg:$0x1b]  }
0x74: {  	[hbm:s0], [sflag:s11] =	dma.local [hbm:s23], $0x10  }
0x75: {  	s0 =	rddreg [dreg:$0x14]  }
0x76: {  	s24 =	rddreg [dreg:$0x5]  }
0x77: {  	s1 =	rddreg [dreg:$0x13]  }
0x78: {  	[tilespmem:s6], [sflag:$0x2] =	stream.linear.gather [hbm4b:s0+s20], $0x80, $0x38;
	[tilespmem:$0x11000] =	vst v63  }
0x79: {  	[hbm:s24], [sflag:s11] =	dma.local [hbm:s1], $0x10  }
0x7a: {  	s0 =	rddreg [dreg:$0x10]  }
0x7b: {  	s2 =	rddreg [dreg:$0x4]  }
0x7c: {  	s1 =	rddreg [dreg:$0xc]  }
0x7d: {  	[tilespmem:s13], [sflag:$0x2] =	stream.linear.gather [hbm4b:s0+s20], $0x80, $0x38;
	[tilespmem:$0x11000] =	vst v63  }
0x7e: {  	[hbm:s2], [sflag:s11] =	dma.local [hbm:s1], $0x10  }
0x7f: {  	s0 =	rddreg [dreg:$0xb]  }
0x80: {  	s5 =	rddreg [dreg:$0x3]  }
0x81: {  	s1 =	rddreg [dreg:$0x15]  }
0x82: {  	[tilespmem:s21], [sflag:$0x2] =	stream.linear.gather [hbm4b:s0+s20], $0x80, $0x38;
	[tilespmem:$0x11000] =	vst v63  }
0x83: {  	[hbm:s5], [sflag:s11] =	dma.local [hbm:s1], $0x10  }
0x84: {  	s0 =	rddreg [dreg:$0x12]  }
0x85: {  	s1 =	rddreg [dreg:$0x16]  }
0x86: {  	s9 =	sadd.s32 $0xFFFFFFE0, s26;
	s6 =	rddreg [dreg:$0x9]  }
0x87: {  	[tilespmem:s1], [sflag:$0x2] =	stream.linear.gather [hbm4b:s0+s20], $0x80, $0x38;
	[tilespmem:$0x11000] =	vst v63  }
0x88: {  	[hbm:s22], [sflag:s11] =	dma.local [hbm:s6], $0x10  }
0x89: {  	s10 =	sadd.s32 $0xFFFFFFF0, s26;
	[dreg:$0x4] =	wrdreg s9  }
0x8a: {  	[dreg:$0x3] =	wrdreg s10  }
0x8b: {  	s0 =	rddreg [dreg:$0x8]  }
0x8c: {  	s8 =	smov.u32 s16;
	s12 =	sadd.s32 $0xFFFFFFC0, s26;
	s7 =	rddreg [dreg:$0xe]  }
0x8d: {  	[tilespmem:s7], [sflag:$0x2] =	stream.linear.gather [hbm4b:s0+s20], $0x80, $0x38;
	[tilespmem:$0x11000] =	vst v63  }
0x8e: {  	s14 =	sadd.s32 $0xFFFFFFD0, s26;
	s13 =	sshra.s32 s8, $0x2;
	[dreg:$0x6] =	wrdreg s12;
	v0 =	vld [tilespmem:s25+$0x0]  }
0x8f: {  	s15 =	sadd.s32 $0x1400, s13;
	[dreg:$0x5] =	wrdreg s14  }
0x90: {  	s17 =	sadd.s32 $0xFFFFFFB0, s26;
	[dreg:$0x7] =	wrdreg s15  }
0x91: {  	s18 =	sadd.s32 $0x1680, s13;
	[dreg:$0xa] =	wrdreg s17  }
0x92: {  	s19 =	sadd.s32 $0xFFFFFF90, s26;
	[dreg:$0x1f] =	wrdreg s18  }
0x93: {  	s21 =	sadd.s32 $0x1480, s13;
	[dreg:$0x11] =	wrdreg s19;
	v0 =	vshll.u32 v0, $0x4  }
0x94: {  	s23 =	sadd.s32 $0xFFFFFF70, s26;
	[dreg:$0xd] =	wrdreg s21;
	(v2sf) =	vpush v0, $0xF  }
0x95: {  	s24 =	sadd.s32 $0xFFFFFF80, s26;
	[dreg:$0x19] =	wrdreg s23;
	(v2sf) =	vpush v0, $0xE  }
0x96: {  	s1 =	sadd.s32 $0x1380, s13;
	[dreg:$0x18] =	wrdreg s24;
	(v2sf) =	vpush v0, $0xD  }
0x97: {  	s2 =	sadd.s32 $0xFFFFFF40, s26;
	[dreg:$0x17] =	wrdreg s1  }
0x98: {  	s5 =	sadd.s32 $0xFFFFFF50, s26;
	[smem:$0x7F3] =	sst s2;
	(v2sf) =	vpush v0, $0xC  }
0x99: {  	[dreg:$0x1d] =	wrdreg s5;
	s6 =	sadd.s32 $0xFFFFFF60, s26;
	(v2sf) =	vpush v0, $0xB  }
0x9a: {  	s10 =	sadd.s32 $0x1280, s13;
	[dreg:$0x1c] =	wrdreg s6;
	(v2sf) =	vpush v0, $0x2  }
0x9b: {  	s14 =	sadd.s32 $0x1780, s13;
	[dreg:$0x1e] =	wrdreg s10;
	(v2sf) =	vpush v0, $0x6  }
0x9c: {  	s15 =	sadd.s32 $0x1080, s13;
	[dreg:$0xe] =	wrdreg s14;
	(v2sf) =	vpush v0, $0x3  }
0x9d: {  	s22 =	smov.u32 s26;
	s18 =	sadd.s32 $0x1100, s13;
	[smem:$0x7F5] =	sst s15;
	(v2sf) =	vpush v0, $0x8  }
0x9e: {  	s8 =	sadd.s32 $0xFFFFFF20, s22;
	[smem:$0x7F7] =	sst s18;
	(v2sf) =	vpush v0, $0x7  }
0x9f: {  	s9 =	sadd.s32 $0xFFFFFF30, s22;
	[smem:$0x7F4] =	sst s8;
	(v2sf) =	vpush v0, $0x5  }
0xa0: {  	s12 =	sadd.s32 $0xFFFFFF10, s22;
	[smem:$0x7F6] =	sst s9;
	(v2sf) =	vpush v0, $0x4  }
0xa1: {  	s20 =	sadd.s32 $0xFFFFFFA0, s26;
	[smem:$0x7F2] =	sst s12;
	(v2sf) =	vpush v0, $0x1  }
0xa2: {  	s7 =	sadd.s32 $0x1300, s13;
	[dreg:$0xf] =	wrdreg s20;
	(v2sf) =	vpush v0, $0xA  }
0xa3: {  	[dreg:$0x1a] =	wrdreg s7;
	s20 =	sadd.s32 $0x1700, s13;
	(v2sf) =	vpush v0, $0x0;
	s17 =	spop (v2sf)  }
0xa4: {  	[dreg:$0x16] =	wrdreg s20;
	s1 =	sand.u32 $0x1FFFFFF0, s17;
	s19 =	spop (v2sf)  }
0xa5: {  	s21 =	sadd.s32 s4, s1;
	s23 =	spop (v2sf);
	s1 =	sadd.s32 s3, s1  }
0xa6: {  	s2 =	sand.u32 $0x1FFFFFF0, s19;
	[dreg:$0x8] =	wrdreg s21;
	s5 =	sand.u32 $0x1FFFFFF0, s23  }
0xa7: {  	[dreg:$0x9] =	wrdreg s1;
	s6 =	spop (v2sf);
	s17 =	sadd.s32 s4, s2  }
0xa8: {  	s19 =	sadd.s32 s3, s2;
	s7 =	sadd.s32 s4, s5;
	s8 =	spop (v2sf)  }
0xa9: {  	s1 =	sand.u32 $0x1FFFFFF0, s6;
	[dreg:$0xb] =	wrdreg s7;
	s7 =	spop (v2sf)  }
0xaa: {  	s5 =	sadd.s32 s3, s5;
	[dreg:$0x12] =	wrdreg s17;
	s10 =	spop (v2sf)  }
0xab: {  	[dreg:$0x15] =	wrdreg s19;
	s6 =	sand.u32 $0x1FFFFFF0, s8;
	s15 =	spop (v2sf)  }
0xac: {  	s9 =	sadd.s32 s4, s1;
	s1 =	sadd.s32 s3, s1;
	s18 =	spop (v2sf)  }
0xad: {  	[dreg:$0x10] =	wrdreg s9;
	s14 =	sadd.s32 s4, s6;
	s20 =	spop (v2sf)  }
0xae: {  	[dreg:$0x13] =	wrdreg s1;
	s21 =	sadd.s32 s3, s6;
	s23 =	spop (v2sf)  }
0xaf: {  	s17 =	sand.u32 $0x1FFFFFF0, s7;
	[dreg:$0x14] =	wrdreg s14;
	s6 =	spop (v2sf)  }
0xb0: {  	[dreg:$0x1b] =	wrdreg s21;
	s2 =	sand.u32 $0x1FFFFFF0, s10;
	s10 =	spop (v2sf)  }
0xb1: {  	s14 =	sadd.s32 s4, s2;
	s1 =	sand.u32 $0x1FFFFFF0, s20;
	s20 =	spop (v2sf)  }
0xb2: {  	s31 =	sand.u32 $0x1FFFFFF0, s18;
	s8 =	sand.u32 $0x1FFFFFF0, s23;
	s21 =	spop (v2sf)  }
0xb3: {  	s9 =	sand.u32 $0x1FFFFFF0, s10;
	s10 =	sadd.s32 s3, s2;
	s23 =	sand.u32 $0x1FFFFFF0, s21  }
0xb4: {  	s18 =	sadd.s32 s4, s23;
	s2 =	sadd.s32 s3, s23;
	s23 =	sld [smem:$0x7F2]  }
0xb5: {  	[dreg:$0xc] =	wrdreg s5;
	s19 =	sadd.s32 s3, s17  }
0xb6: {  	s5 =	sand.u32 $0x1FFFFFF0, s15;
	s15 =	sadd.s32 $0x1000, s13;
	(v2sf) =	vpush v0, $0x9;
	s12 =	sand.u32 $0x1FFFFFF0, s6  }
0xb7: {  	[hbm:s23], [sflag:s11] =	dma.local [hbm:s2], $0x10  }
0xb8: {  	s6 =	sand.u32 $0x1FFFFFF0, s20;
	s20 =	sadd.s32 s4, s17;
	s2 =	sld [smem:$0x7F4]  }
0xb9: {  	s17 =	sadd.s32 s3, s9;
	s21 =	simm.s32 $0x0;
	s23 =	sld [smem:$0x7F3]  }
0xba: {  	[tilespmem:s15], [sflag:$0x2] =	stream.linear.gather [hbm4b:s18+s21], $0x80, $0x38;
	[tilespmem:$0x11000] =	vst v63  }
0xbb: {  	[hbm:s2], [sflag:s11] =	dma.local [hbm:s17], $0x10  }
0xbc: {  	p0 =	sne.s32 s16, $0x3E000;
	s2 =	sld [smem:$0x7F5]  }
0xbd: {  	s16 =	sadd.s32 $0x2000, s16;
	s24 =	sadd.s32 $0x1200, s13;
	s18 =	sld [smem:$0x7F6]  }
0xbe: {  	s26 =	sadd.s32 $0x100, s26;
	s0 =	sadd.s32 $0x1180, s13;
	s9 =	sadd.s32 s4, s9  }
0xbf: {  	[tilespmem:s2], [sflag:$0x2] =	stream.linear.gather [hbm4b:s9+s21], $0x80, $0x38;
	[tilespmem:$0x11000] =	vst v63  }
0xc0: {  	[hbm:s18], [sflag:s11] =	dma.local [hbm:s19], $0x10  }
.Ltmp0:
0xc1: {  	s25 =	sadd.s32 $0x80, s25;
	s2 =	sld [smem:$0x7F7];
	(pc) =	sbr.rel @p0 .LBB2_2-.Ltmp0, $4  }
0xc2: {  	s7 =	sadd.s32 $0x1500, s13;
	s29 =	sadd.s32 s3, s1;
	s1 =	sadd.s32 s4, s1  }
0xc3: {  	s28 =	sadd.s32 s4, s6;
	s30 =	sadd.s32 s3, s6;
	s6 =	sadd.s32 $0x1580, s13  }
0xc4: {  	[tilespmem:s2], [sflag:$0x2] =	stream.linear.gather [hbm4b:s20+s21], $0x80, $0x38;
	[tilespmem:$0x11000] =	vst v63  }
0xc5: {  	s13 =	sadd.s32 $0x1600, s13;
	s21 =	rddreg [dreg:$0x1f];
	s20 =	simm.s32 $0x0  }
0xc6: {  	s2 =	sadd.s32 s3, s5;
	s9 =	spop (v2sf);
	s18 =	sadd.s32 s4, s5  }
0xc7: {  	[hbm:s23], [sflag:s11] =	dma.local [hbm:s2], $0x10  }
0xc8: {  	[tilespmem:s0], [sflag:$0x2] =	stream.linear.gather [hbm4b:s18+s20], $0x80, $0x38;
	[tilespmem:$0x11000] =	vst v63  }
0xc9: {  	s19 =	sadd.s32 s3, s12;
	s25 =	sadd.s32 s4, s12;
	s23 =	rddreg [dreg:$0x1d]  }
0xca: {  	[hbm:s23], [sflag:s11] =	dma.local [hbm:s19], $0x10  }
0xcb: {  	[tilespmem:s24], [sflag:$0x2] =	stream.linear.gather [hbm4b:s25+s20], $0x80, $0x38;
	[tilespmem:$0x11000] =	vst v63  }
0xcc: {  	s26 =	sadd.s32 s3, s8;
	s2 =	rddreg [dreg:$0x1c]  }
0xcd: {  	[hbm:s2], [sflag:s11] =	dma.local [hbm:s26], $0x10  }
0xce: {  	s2 =	rddreg [dreg:$0x1e]  }
0xcf: {  	s5 =	sadd.s32 s4, s8;
	s8 =	rddreg [dreg:$0x19]  }
0xd0: {  	[tilespmem:s2], [sflag:$0x2] =	stream.linear.gather [hbm4b:s5+s20], $0x80, $0x38;
	[tilespmem:$0x11000] =	vst v63  }
0xd1: {  	[hbm:s8], [sflag:s11] =	dma.local [hbm:s10], $0x10  }
0xd2: {  	s0 =	rddreg [dreg:$0x1a]  }
0xd3: {  	s10 =	rddreg [dreg:$0x18]  }
0xd4: {  	[tilespmem:s0], [sflag:$0x2] =	stream.linear.gather [hbm4b:s14+s20], $0x80, $0x38;
	[tilespmem:$0x11000] =	vst v63  }
0xd5: {  	[hbm:s10], [sflag:s11] =	dma.local [hbm:s29], $0x10  }
0xd6: {  	s0 =	rddreg [dreg:$0x17]  }
0xd7: {  	s12 =	sadd.s32 s3, s31;
	s14 =	rddreg [dreg:$0x11]  }
0xd8: {  	[tilespmem:s0], [sflag:$0x2] =	stream.linear.gather [hbm4b:s1+s20], $0x80, $0x38;
	[tilespmem:$0x11000] =	vst v63  }
0xd9: {  	[hbm:s14], [sflag:s11] =	dma.local [hbm:s12], $0x10  }
0xda: {  	s16 =	sand.u32 $0x1FFFFFF0, s9;
	s1 =	rddreg [dreg:$0x7]  }
0xdb: {  	s15 =	sadd.s32 s4, s31;
	s17 =	sadd.s32 s3, s16;
	s18 =	rddreg [dreg:$0xf]  }
0xdc: {  	[tilespmem:s1], [sflag:$0x2] =	stream.linear.gather [hbm4b:s15+s20], $0x80, $0x38;
	[tilespmem:$0x11000] =	vst v63  }
0xdd: {  	[hbm:s18], [sflag:s11] =	dma.local [hbm:s17], $0x10  }
0xde: {  	s1 =	rddreg [dreg:$0xd]  }
0xdf: {  	s0 =	sadd.s32 s4, s16;
	s19 =	rddreg [dreg:$0xa]  }
0xe0: {  	[tilespmem:s1], [sflag:$0x2] =	stream.linear.gather [hbm4b:s0+s20], $0x80, $0x38;
	[tilespmem:$0x11000] =	vst v63  }
0xe1: {  	[hbm:s19], [sflag:s11] =	dma.local [hbm:s30], $0x10  }
0xe2: {  	[tilespmem:s7], [sflag:$0x2] =	stream.linear.gather [hbm4b:s28+s20], $0x80, $0x38;
	[tilespmem:$0x11000] =	vst v63  }
0xe3: {  	s0 =	rddreg [dreg:$0x6]  }
0xe4: {  	s23 =	rddreg [dreg:$0x1b]  }
0xe5: {  	[hbm:s0], [sflag:s11] =	dma.local [hbm:s23], $0x10  }
0xe6: {  	s0 =	rddreg [dreg:$0x14]  }
0xe7: {  	s24 =	rddreg [dreg:$0x5]  }
0xe8: {  	s1 =	rddreg [dreg:$0x13]  }
0xe9: {  	[tilespmem:s6], [sflag:$0x2] =	stream.linear.gather [hbm4b:s0+s20], $0x80, $0x38;
	[tilespmem:$0x11000] =	vst v63  }
0xea: {  	[hbm:s24], [sflag:s11] =	dma.local [hbm:s1], $0x10  }
0xeb: {  	s0 =	rddreg [dreg:$0x10]  }
0xec: {  	s25 =	rddreg [dreg:$0x4]  }
0xed: {  	s1 =	rddreg [dreg:$0xc]  }
0xee: {  	[tilespmem:s13], [sflag:$0x2] =	stream.linear.gather [hbm4b:s0+s20], $0x80, $0x38;
	[tilespmem:$0x11000] =	vst v63  }
0xef: {  	[hbm:s25], [sflag:s11] =	dma.local [hbm:s1], $0x10  }
0xf0: {  	s0 =	rddreg [dreg:$0xb]  }
0xf1: {  	s26 =	rddreg [dreg:$0x3]  }
0xf2: {  	s1 =	rddreg [dreg:$0x15]  }
0xf3: {  	[tilespmem:s21], [sflag:$0x2] =	stream.linear.gather [hbm4b:s0+s20], $0x80, $0x38;
	[tilespmem:$0x11000] =	vst v63  }
0xf4: {  	[hbm:s26], [sflag:s11] =	dma.local [hbm:s1], $0x10  }
0xf5: {  	s0 =	rddreg [dreg:$0x12]  }
0xf6: {  	s1 =	rddreg [dreg:$0x16]  }
0xf7: {  	s28 =	rddreg [dreg:$0x9]  }
0xf8: {  	[tilespmem:s1], [sflag:$0x2] =	stream.linear.gather [hbm4b:s0+s20], $0x80, $0x38;
	[tilespmem:$0x11000] =	vst v63  }
0xf9: {  	[hbm:s22], [sflag:s11] =	dma.local [hbm:s28], $0x10  }
0xfa: {  	s0 =	rddreg [dreg:$0x8]  }
0xfb: {  	s30 =	simm.s32 $0x2;
	s29 =	rddreg [dreg:$0xe]  }
0xfc: {  	[tilespmem:s29], [sflag:$0x2] =	stream.linear.gather [hbm4b:s0+s20], $0x80, $0x38;
	[tilespmem:$0x11000] =	vst v63  }
0xfd: {  	_ =	swait.ge [sflag:s30], $0x10000  }
0xfe: {  	s31 =	sld [smem:$0x7FA]  }
0xff: {  	[sflag:s30] =	ssyncset.done $0x0  }
0x100: {  	s5 =	simm.s32 $0x1000;
	s2 =	simm.s32 $0x3;
	[sflag:s30] =	ssyncadd.s32 $0xFFFF0000  }
0x101: {  	[hbm4b:s31+s20] =	stream.linear.scatter [tilespmem:s5], [sflag:$0x3], $0x10000, $0x38;
	[tilespmem:$0x11000] =	vst v63  }
0x102: {  	_ =	swait.ge [sflag:s2], $0x10000  }
0x103: {  	[sflag:s2] =	ssyncset.done $0x0  }
0x104: {  	s16 =	simm.s32 $0x1100;
	[sflag:s2] =	ssyncadd.s32 $0xFFFF0000  }
0x105: {  	v0 =	vld [tilespmem:s16+$0xFFFFFF90]  }
0x106: {  	v1 =	vld [tilespmem:s16+$0xA0]  }
0x107: {  	v2 =	vld [tilespmem:s16+$0xB0]  }
0x108: {  	v3 =	vld [tilespmem:s16+$0x80];
	_ =	sdelay $0x1  }
0x109: {  	v7 =	vld [tilespmem:s16+$0x10];
	v0 =	vmul.f32 $5.000000000e-01, v0  }
0x10a: {  	v4 =	vld [tilespmem:s16+$0x20];
	v1 =	vmul.f32 $5.000000000e-01, v1  }
0x10b: {  	v5 =	vld [tilespmem:s16+$0xFFFFFF30];
	v2 =	vmul.f32 $5.000000000e-01, v2;
	v0 =	vmul.f32 $1.442695020e+00, v0  }
0x10c: {  	v6 =	vld [tilespmem:s16+$0xFFFFFF20];
	v3 =	vmul.f32 $5.000000000e-01, v3;
	v1 =	vmul.f32 $1.442695020e+00, v1  }
0x10d: {  	(erf) = vpow2.f32 v0;
	v0 =	vmul.f32 $1.442695020e+00, v2  }
0x10e: {  	v8 =	vld [tilespmem:s16+$0xFFFFFFB0];
	v7 =	vmul.f32 $5.000000000e-01, v7;
	(erf) = vpow2.f32 v1  }
0x10f: {  	v2 =	vmul.f32 $5.000000000e-01, v4;
	v4 =	vld [tilespmem:s16+$0xFFFFFFA0];
	(erf) = vpow2.f32 v0  }
0x110: {  	v3 =	vmul.f32 $1.442695020e+00, v3;
	v1 =	vmul.f32 $5.000000000e-01, v5;
	v5 =	vld [tilespmem:s16+$0xFFFFFF00]  }
0x111: {  	v10 =	vld [tilespmem:s16+$0x0];
	v2 =	vmul.f32 $1.442695020e+00, v2;
	v0 =	vmul.f32 $5.000000000e-01, v6  }
0x112: {  	v6 =	vld [tilespmem:s16+$0x30];
	v1 =	vmul.f32 $1.442695020e+00, v1;
	(erf) = vpow2.f32 v3  }
0x113: {  	v12 =	vld [tilespmem:s16+$0x90];
	v9 =	vmul.f32 $1.442695020e+00, v0;
	v0 =	vmul.f32 $1.442695020e+00, v7  }
0x114: {  	v3 =	vld [tilespmem:s16+$0xFFFFFF10];
	(erf) = vpow2.f32 v2;
	v11 =	vmul.f32 $5.000000000e-01, v4  }
0x115: {  	v5 =	vmul.f32 $5.000000000e-01, v5;
	(erf) = vpow2.f32 v9  }
0x116: {  	v9 =	vmul.f32 $5.000000000e-01, v8;
	v7 =	vpop (erf);
	(erf) = vpow2.f32 v1  }
0x117: {  	v4 =	vmul.f32 $5.000000000e-01, v6;
	v2 =	vmul.f32 $1.442695020e+00, v11;
	v6 =	vpop (erf);
	[tilespmem:s16+$0xFFFFFF90] =	vst v7;
	v7 =	vld [tilespmem:s16+$0xFFFFFF80]  }
0x118: {  	v5 =	vmul.f32 $1.442695020e+00, v5;
	v1 =	vmul.f32 $5.000000000e-01, v10;
	v10 =	vpop (erf)  }
0x119: {  	s1 =	simm.s32 $0x1300;
	s0 =	simm.s32 $0x0;
	v8 =	vmul.f32 $5.000000000e-01, v3;
	v3 =	vmul.f32 $5.000000000e-01, v12;
	[tilespmem:s16+$0xB0] =	vst v10  }
.LBB2_4:
0x11a: {  	v10 =	vld [tilespmem:s1+$0xFFFFFF90];
	s0 =	sadd.s32 $0x4, s0;
	v9 =	vmul.f32 $1.442695020e+00, v9;
	(erf) = vpow2.f32 v0  }
0x11b: {  	v4 =	vmul.f32 $1.442695020e+00, v4;
	p0 =	slt.u32 s0, $0x1FC;
	v0 =	vmul.f32 $1.442695020e+00, v8;
	[tilespmem:s16+$0xA0] =	vst v6;
	v6 =	vpop (erf)  }
0x11c: {  	v8 =	vld [tilespmem:s1+$0xB0];
	v7 =	vmul.f32 $5.000000000e-01, v7;
	(erf) = vpow2.f32 v2  }
0x11d: {  	v1 =	vmul.f32 $1.442695020e+00, v1;
	v2 =	vld [tilespmem:s1+$0xA0];
	[tilespmem:s16+$0x80] =	vst v6;
	(erf) = vpow2.f32 v5;
	v5 =	vpop (erf)  }
0x11e: {  	v3 =	vmul.f32 $1.442695020e+00, v3;
	v6 =	vld [tilespmem:s1+$0x80];
	[tilespmem:s16+$0x20] =	vst v5;
	v5 =	vpop (erf);
	(erf) = vpow2.f32 v4  }
0x11f: {  	v4 =	vmul.f32 $5.000000000e-01, v10;
	v10 =	vld [tilespmem:s1+$0x20];
	[tilespmem:s16+$0xFFFFFF20] =	vst v5;
	v5 =	vpop (erf);
	(erf) = vpow2.f32 v9  }
0x120: {  	[tilespmem:s16+$0xFFFFFF30] =	vst v5;
	v5 =	vmul.f32 $1.442695020e+00, v7;
	(erf) = vpow2.f32 v1  }
0x121: {  	v1 =	vld [tilespmem:s1+$0xFFFFFF30];
	v4 =	vmul.f32 $1.442695020e+00, v4;
	(erf) = vpow2.f32 v0  }
0x122: {  	v0 =	vmul.f32 $5.000000000e-01, v2;
	(erf) = vpow2.f32 v3  }
0x123: {  	v2 =	vld [tilespmem:s1+$0xFFFFFF20];
	v3 =	vmul.f32 $5.000000000e-01, v6;
	v6 =	vmul.f32 $5.000000000e-01, v8;
	v7 =	vpop (erf)  }
0x124: {  	v8 =	vmul.f32 $5.000000000e-01, v10;
	[tilespmem:s16+$0x10] =	vst v7;
	(erf) = vpow2.f32 v5  }
0x125: {  	v9 =	vmul.f32 $1.442695020e+00, v0;
	v5 =	vld [tilespmem:s1+$0x10];
	(erf) = vpow2.f32 v4;
	v4 =	vpop (erf)  }
0x126: {  	v6 =	vmul.f32 $1.442695020e+00, v6;
	v1 =	vmul.f32 $5.000000000e-01, v1;
	[tilespmem:s16+$0xFFFFFFA0] =	vst v4;
	v4 =	vpop (erf)  }
0x127: {  	v8 =	vmul.f32 $1.442695020e+00, v8;
	v7 =	vld [tilespmem:s1+$0xFFFFFFA0];
	(erf) = vpow2.f32 v9;
	[tilespmem:s16+$0xFFFFFF00] =	vst v4;
	v0 =	vpop (erf)  }
0x128: {  	v4 =	vld [tilespmem:s1+$0xFFFFFF00];
	v1 =	vmul.f32 $1.442695020e+00, v1;
	(erf) = vpow2.f32 v6;
	[tilespmem:s16+$0x30] =	vst v0;
	v0 =	vpop (erf)  }
0x129: {  	v3 =	vmul.f32 $1.442695020e+00, v3;
	v2 =	vmul.f32 $5.000000000e-01, v2;
	v6 =	vld [tilespmem:s1+$0x30];
	[tilespmem:s16+$0xFFFFFFB0] =	vst v0;
	v0 =	vpop (erf)  }
0x12a: {  	v9 =	vld [tilespmem:s1+$0xFFFFFFB0];
	v13 =	vmul.f32 $5.000000000e-01, v5;
	[tilespmem:s16+$0x0] =	vst v0;
	v0 =	vpop (erf)  }
0x12b: {  	v14 =	vmul.f32 $1.442695020e+00, v2;
	v10 =	vld [tilespmem:s1+$0x0];
	(erf) = vpow2.f32 v3;
	[tilespmem:s16+$0xFFFFFF10] =	vst v0;
	v0 =	vpop (erf)  }
0x12c: {  	v3 =	vld [tilespmem:s1+$0xFFFFFF10];
	v11 =	vmul.f32 $5.000000000e-01, v7;
	[tilespmem:s16+$0x90] =	vst v0  }
0x12d: {  	v0 =	vmul.f32 $1.442695020e+00, v13;
	v12 =	vld [tilespmem:s1+$0x90];
	(erf) = vpow2.f32 v8;
	v5 =	vpop (erf)  }
.Ltmp1:
0x12e: {  	v8 =	vmul.f32 $5.000000000e-01, v4;
	(erf) = vpow2.f32 v14;
	v2 =	vpop (erf);
	[tilespmem:s16+$0xFFFFFF80] =	vst v5;
	s16 =	smov.u32 s1;
	(pc) =	sbr.rel @p0 .LBB2_4-.Ltmp1, $4  }
0x12f: {  	v4 =	vmul.f32 $5.000000000e-01, v6;
	[tilespmem:s1+$0xFFFFFF90] =	vst v2;
	(erf) = vpow2.f32 v1  }
0x130: {  	v2 =	vmul.f32 $1.442695020e+00, v11;
	v7 =	vld [tilespmem:s1+$0xFFFFFF80];
	v1 =	vmul.f32 $5.000000000e-01, v10;
	v6 =	vpop (erf)  }
0x131: {  	v5 =	vmul.f32 $1.442695020e+00, v8;
	v9 =	vmul.f32 $5.000000000e-01, v9;
	v10 =	vpop (erf)  }
0x132: {  	s1 =	sadd.s32 $0x200, s1;
	v8 =	vmul.f32 $5.000000000e-01, v3;
	v3 =	vmul.f32 $5.000000000e-01, v12;
	[tilespmem:s16+$0xB0] =	vst v10  }
0x133: {  	v9 =	vmul.f32 $1.442695020e+00, v9;
	(erf) = vpow2.f32 v0  }
0x134: {  	v48 =	vmul.f32 $1.442695020e+00, v4;
	(erf) = vpow2.f32 v2  }
0x135: {  	v1 =	vmul.f32 $1.442695020e+00, v1;
	(erf) = vpow2.f32 v5  }
0x136: {  	v49 =	vmul.f32 $1.442695020e+00, v8;
	(erf) = vpow2.f32 v48  }
0x137: {  	v50 =	vmul.f32 $5.000000000e-01, v7;
	(erf) = vpow2.f32 v9  }
0x138: {  	[tilespmem:s16+$0xA0] =	vst v6;
	v51 =	vpop (erf);
	v3 =	vmul.f32 $1.442695020e+00, v3;
	(erf) = vpow2.f32 v1  }
0x139: {  	[tilespmem:s16+$0x80] =	vst v51;
	v52 =	vpop (erf);
	v0 =	vmul.f32 $1.442695020e+00, v50;
	(erf) = vpow2.f32 v49  }
0x13a: {  	[tilespmem:s16+$0x20] =	vst v52;
	v53 =	vpop (erf);
	(erf) = vpow2.f32 v3  }
0x13b: {  	[tilespmem:s16+$0xFFFFFF20] =	vst v53;
	v54 =	vpop (erf);
	(erf) = vpow2.f32 v0  }
0x13c: {  	[tilespmem:s16+$0xFFFFFF30] =	vst v54;
	v55 =	vpop (erf)  }
0x13d: {  	[tilespmem:s16+$0x10] =	vst v55;
	v56 =	vpop (erf)  }
0x13e: {  	[tilespmem:s16+$0xFFFFFFA0] =	vst v56;
	v57 =	vpop (erf)  }
0x13f: {  	[tilespmem:s16+$0xFFFFFF00] =	vst v57;
	v58 =	vpop (erf)  }
0x140: {  	[tilespmem:s16+$0x30] =	vst v58;
	v59 =	vpop (erf)  }
0x141: {  	[tilespmem:s16+$0xFFFFFFB0] =	vst v59;
	v60 =	vpop (erf)  }
0x142: {  	[tilespmem:s16+$0x0] =	vst v60;
	v61 =	vpop (erf)  }
0x143: {  	s0 =	sld [smem:$0x7FB];
	[tilespmem:s16+$0xFFFFFF10] =	vst v61;
	v62 =	vpop (erf)  }
0x144: {  	[tilespmem:s16+$0x90] =	vst v62;
	v63 =	vpop (erf)  }
0x145: {  	[tilespmem:s16+$0xFFFFFF80] =	vst v63  }
0x146: {  	[hbm4b:s0+s20] =	stream.linear.scatter [tilespmem:s5], [sflag:$0x3], $0x10000, $0x38;
	[tilespmem:$0x11000] =	vst v63  }
0x147: {  	_ =	swait.ge [sflag:s2], $0x10000  }
0x148: {  	[sflag:s2] =	ssyncset.done $0x0  }
0x149: {  	s1 =	simm.s32 $0x1;
	[sflag:s2] =	ssyncadd.s32 $0xFFFF0000  }
0x14a: {  	_ =	swait.ge [sflag:s1], $0x2000  }
0x14b: {  	s30 =	sld [smem:$0x7F8]  }
0x14c: {  	s31 =	sld [smem:$0x7FC];
	_ =	sdelay $0x1  }
0x14d: {  	s5 =	sadd.s32 $0x1, s30  }
0x14e: {  	p0 =	sne.s32 s5, s31  }
.Ltmp2:
0x14f: {  	_ = 	snop;
	(pc) =	sbr.rel @p0 .LBB2_1-.Ltmp2, $3  }
0x150: {  	_ =	sdelay $0x1  }
0x151: {  	[sflag:s1] =	ssyncset.done $0x0  }
0x152: {  	[sflag:s1] =	ssyncadd.s32 $0xFFFFE000  }
0x153: {  	_ =	sfence.sel $0x180000  }
0x154: {  	[bflag:$0x0] =	sbarrier.arrive $0xFFFF  }
0x155: {  	_ =	strace $0x90000047  }
0x156: {  	s0 =	stileid.u32;
	[bflag:$0x2] =	sbarrier.arrive $0xFFFF  }
0x157: {  	p0 =	sne.s32 s0, $0x0;
	s0 =	rddreg [dreg:$0x2]  }
0x158: {  	s0 =	sadd.s32 @!p0 $0x100000, s0  }
0x159: {  	[sflag:s0] =	ssyncadd.tile.s32 @!p0 $0x1;
	_ =	shalt  }
.Lfunc_end2:
_tile_overlayer_lowered:
.L_overlay_start_2:
0x15a: {  	(tag) =	ssettag $0x2  }
0x15b: {  	s0 =	rddreg [dreg:$0x0];
	s2 =	stileid.u32  }
0x15c: {  	s1 =	rddreg [dreg:$0x1];
	p0 =	sne.s32 s2, $0x0  }
0x15d: {  	s3 =	rddreg [dreg:$0x2];
	[bflag:$0x3] =	sbarrier.arrive $0xFFFF;
	s2 =	simm.s32 @!p0 $0x1C03  }
0x15e: {  	[timem:s3], [sflag:s2] =	dma.local @!p0 [hbm:s0], s1  }
0x15f: {  	s0 =	simm.s32 @!p0 $0x3  }
0x160: {  	_ =	swait.ge @!p0 [sflag:s0], s1  }
0x161: {  	s1 =	ssub.s32 @!p0 $0x0, s1;
	[sflag:s0] =	ssyncset.done @!p0 $0x0  }
0x162: {  	[sflag:s0] =	ssyncadd.s32 @!p0 s1  }
0x163: {  	[bflag:$0x3] =	sbarrier.arrive $0xFFFF  }
0x164: {  	_ =	shalt  }

</sc_bundles>
